<compile_context>
chip_gen: v7x
topology: tpu7x:2x2x1
jax: 0.10.2.dev20260603
libtpu: 0.0.44.dev20260713+nightly
codegen_flags: <defaults>
</compile_context>

<pallas_src>
import functools

import jax
import jax.numpy as jnp
from jax import lax
from jax.experimental import pallas as pl
from jax.experimental.pallas import tpu as pltpu
from jax.experimental.pallas import tpu_sc as plsc

_B = 128
_V = 100000
_A_PAD = 112
_NC = 2
_NS = 16
_ROWS = _B // (_NC * _NS)
_L = 16
_SEG = 20000
_NSEG = _V // _SEG


def _body(scores_hbm, allowed_hbm, out_hbm, seg_v, allowed_v, idx_v, vals_v,
          gsem, fsem):
    wid = lax.axis_index("s") * _NC + lax.axis_index("c")

    neg = jnp.full((_L,), -jnp.inf, jnp.float32)

    @pl.loop(0, _SEG // _L)
    def _fill(i):
        seg_v[pl.ds(i * _L, _L)] = neg

    pltpu.sync_copy(allowed_hbm, allowed_v)
    for r in range(_ROWS):
        base = (wid * _ROWS + r) * _V
        for c in range(_A_PAD // _L):
            a16 = allowed_v[pl.ds(_L * c, _L)]
            idx_v[pl.ds(r * _A_PAD + _L * c, _L)] = a16 + base
    gather = pltpu.make_async_copy(scores_hbm.at[idx_v], vals_v, gsem)
    gather.start()

    fills = [
        pltpu.make_async_copy(
            seg_v,
            out_hbm.at[pl.ds((wid * _ROWS + r) * _V + s * _SEG, _SEG)],
            fsem)
        for r in range(_ROWS) for s in range(_NSEG)
    ]
    for f in fills:
        f.start()
    gather.wait()
    for f in fills:
        f.wait()
    pltpu.async_copy(vals_v, out_hbm.at[idx_v], gsem).wait()


_sc_mask = functools.partial(
    pl.kernel,
    out_type=jax.ShapeDtypeStruct((_B * _V,), jnp.float32),
    mesh=plsc.VectorSubcoreMesh(
        core_axis_name="c", subcore_axis_name="s",
        num_cores=_NC, num_subcores=_NS),
    scratch_types=[
        pltpu.VMEM((_SEG,), jnp.float32),
        pltpu.VMEM((_A_PAD,), jnp.int32),
        pltpu.VMEM((_ROWS * _A_PAD,), jnp.int32),
        pltpu.VMEM((_ROWS * _A_PAD,), jnp.float32),
        pltpu.SemaphoreType.DMA,
        pltpu.SemaphoreType.DMA,
    ],
)(_body)


def kernel(input_ids, scores, allowed_token_ids):
    del input_ids
    a = allowed_token_ids.astype(jnp.int32)
    a_pad = jnp.concatenate(
        [a, jnp.broadcast_to(a[-1:], (_A_PAD - a.shape[0],))])
    flat = _sc_mask(scores.reshape(-1), a_pad)
    return flat.reshape(_B, _V)

# --- scband reference (transcript-rebuilt; emitter-appended) ---
"""Pipeline reference for scband-only-allow-specific-tokens-processor-25331717112381 (READ-ONLY COPY).

The authoritative reference and input builder live on the scoring server;
editing this copy changes nothing except your own understanding.
"""

import jax, jax.numpy as jnp
import numpy as np


def setup_inputs(seed: int = 0) -> dict:
    key = jax.random.key(seed)
    k1, k2 = jax.random.split(key)
    input_ids = jax.random.randint(k1, (128, 32), 0, 100000, dtype=jnp.int64 if jax.config.jax_enable_x64 else jnp.int32)
    scores = jax.random.normal(k2, (128, 100000), dtype=jnp.float32)
    allowed_token_ids = jnp.arange(0, 100000, 1000, dtype=jnp.int32)  # 100 allowed ids, matches init_kwargs
    return {"input_ids": input_ids, "scores": scores, "allowed_token_ids": allowed_token_ids}


def reference(input_ids, scores, allowed_token_ids):
    # mask = torch.full_like(scores, -inf); mask[:, allowed] = scores[:, allowed]
    mask = jnp.full_like(scores, -jnp.inf)
    gathered = scores[:, allowed_token_ids]              # gather along vocab axis
    mask = mask.at[:, allowed_token_ids].set(gathered)   # scatter-overwrite
    return mask

if __name__ == "__main__":
    import jax
    _d = setup_inputs()
    print(jax.jit(kernel)(*tuple(_d.values())))

</pallas_src>

<mosaic_0001>
#map = affine_map<(d0, d1) -> (0)>
module attributes {stable_mosaic.version = 14 : i64} {
  func.func @_body(%arg0: i32, %arg1: i32, %arg2: memref<12800000xf32, #tpu.memory_space<hbm>>, %arg3: memref<112xi32, #tpu.memory_space<hbm>>, %arg4: memref<12800000xf32, #tpu.memory_space<hbm>>, %arg5: memref<20000xf32, #tpu.memory_space<vmem>>, %arg6: memref<112xi32, #tpu.memory_space<vmem>>, %arg7: memref<448xi32, #tpu.memory_space<vmem>>, %arg8: memref<448xf32, #tpu.memory_space<vmem>>, %arg9: memref<!tpu.dma_semaphore, #tpu.memory_space<semaphore_mem>>, %arg10: memref<!tpu.dma_semaphore, #tpu.memory_space<semaphore_mem>>) attributes {dimension_semantics = [#tpu.dimension_semantics<core_parallel>, #tpu.dimension_semantics<subcore_parallel>], iteration_bounds = array<i64: 2, 16>, scalar_prefetch = 0 : i64, scratch_operands = 6 : i64, tpu.core_type = #tpu.core_type<sc_vector_subcore>, window_params = [{transform_indices = #map}, {transform_indices = #map}, {transform_indices = #map}]} {
    %mul3A = arith.constant 2 : i32
    %mul3A_0 = arith.muli %arg1, %mul3A : i32
    %add3A = arith.addi %mul3A_0, %arg0 : i32
    %broadcast_in_dim3A = arith.constant 0xFF800000 : f32
    %broadcast_in_dim3A_1 = vector.broadcast %broadcast_in_dim3A : f32 to vector<16xf32>
    %scan3A = arith.constant 0 : i32
    %scan3A_2 = arith.constant 1250 : i32
    %scan3A_3 = arith.addi %scan3A, %scan3A_2 : i32
    %scan3A_4 = arith.constant 1 : i32
    scf.for %scan3A_526 = %scan3A to %scan3A_3 step %scan3A_4  : i32 {
      %mul3A_527 = arith.constant 1 : i32
      %mul3A_528 = arith.muli %scan3A_526, %mul3A_527 : i32
      %add3A_529 = arith.constant 0 : i32
      %add3A_530 = arith.addi %add3A_529, %mul3A_528 : i32
      %mul3A_531 = arith.constant 16 : i32
      %mul3A_532 = arith.muli %add3A_530, %mul3A_531 : i32
      %swap3A_533 = arith.index_cast %mul3A_532 : i32 to index
      %swap3A_534 = tpu.vector_load %arg5[%swap3A_533] {strides = array<i32>} : memref<20000xf32, #tpu.memory_space<vmem>>, vector<16xf32>,
      %swap3A_535 = vector.shape_cast %swap3A_534 : vector<16xf32> to vector<16xf32>
      %swap3A_536 = vector.shape_cast %broadcast_in_dim3A_1 : vector<16xf32> to vector<16xf32>
      tpu.vector_store %arg5[%swap3A_533], %swap3A_536 {strides = array<i32>} : memref<20000xf32, #tpu.memory_space<vmem>>, vector<16xf32>,
    }
    %scan3A_5 = arith.constant 1250 : i32
    "tpu.region"() ({
      %run_scoped3A = tpu.sem_alloc : memref<!tpu.dma_semaphore, #tpu.memory_space<semaphore_mem>>
      tpu.enqueue_dma source(%arg3 : memref<112xi32, #tpu.memory_space<hbm>>) target(%arg6 : memref<112xi32, #tpu.memory_space<vmem>>) target_semaphore(%run_scoped3A : memref<!tpu.dma_semaphore, #tpu.memory_space<semaphore_mem>>)
      tpu.wait_dma2 semaphore(%run_scoped3A : memref<!tpu.dma_semaphore, #tpu.memory_space<semaphore_mem>>) src(%arg3 : memref<112xi32, #tpu.memory_space<hbm>>) dst(%arg6 : memref<112xi32, #tpu.memory_space<vmem>>)
      tpu.yield
    }) : () -> ()
    %mul3A_6 = arith.constant 4 : i32
    %mul3A_7 = arith.muli %add3A, %mul3A_6 : i32
    %add3A_8 = arith.constant 0 : i32
    %add3A_9 = arith.addi %mul3A_7, %add3A_8 : i32
    %mul3A_10 = arith.constant 100000 : i32
    %mul3A_11 = arith.muli %add3A_9, %mul3A_10 : i32
    %get3A = arith.constant 0 : index
    %get3A_12 = tpu.vector_load %arg6[%get3A] {strides = array<i32>} : memref<112xi32, #tpu.memory_space<vmem>>, vector<16xi32>,
    %get3A_13 = vector.shape_cast %get3A_12 : vector<16xi32> to vector<16xi32>
    %add3A_14 = vector.broadcast %mul3A_11 : i32 to vector<16xi32>
    %add3A_15 = arith.addi %get3A_13, %add3A_14 : vector<16xi32>
    %swap3A = arith.constant 0 : index
    %swap3A_16 = tpu.vector_load %arg7[%swap3A] {strides = array<i32>} : memref<448xi32, #tpu.memory_space<vmem>>, vector<16xi32>,
    %swap3A_17 = vector.shape_cast %swap3A_16 : vector<16xi32> to vector<16xi32>
    %swap3A_18 = vector.shape_cast %add3A_15 : vector<16xi32> to vector<16xi32>
    tpu.vector_store %arg7[%swap3A], %swap3A_18 {strides = array<i32>} : memref<448xi32, #tpu.memory_space<vmem>>, vector<16xi32>,
    %get3A_19 = arith.constant 16 : index
    %get3A_20 = tpu.vector_load %arg6[%get3A_19] {strides = array<i32>} : memref<112xi32, #tpu.memory_space<vmem>>, vector<16xi32>,
    %get3A_21 = vector.shape_cast %get3A_20 : vector<16xi32> to vector<16xi32>
    %add3A_22 = vector.broadcast %mul3A_11 : i32 to vector<16xi32>
    %add3A_23 = arith.addi %get3A_21, %add3A_22 : vector<16xi32>
    %swap3A_24 = arith.constant 16 : index
    %swap3A_25 = tpu.vector_load %arg7[%swap3A_24] {strides = array<i32>} : memref<448xi32, #tpu.memory_space<vmem>>, vector<16xi32>,
    %swap3A_26 = vector.shape_cast %swap3A_25 : vector<16xi32> to vector<16xi32>
    %swap3A_27 = vector.shape_cast %add3A_23 : vector<16xi32> to vector<16xi32>
    tpu.vector_store %arg7[%swap3A_24], %swap3A_27 {strides = array<i32>} : memref<448xi32, #tpu.memory_space<vmem>>, vector<16xi32>,
    %get3A_28 = arith.constant 32 : index
    %get3A_29 = tpu.vector_load %arg6[%get3A_28] {strides = array<i32>} : memref<112xi32, #tpu.memory_space<vmem>>, vector<16xi32>,
    %get3A_30 = vector.shape_cast %get3A_29 : vector<16xi32> to vector<16xi32>
    %add3A_31 = vector.broadcast %mul3A_11 : i32 to vector<16xi32>
    %add3A_32 = arith.addi %get3A_30, %add3A_31 : vector<16xi32>
    %swap3A_33 = arith.constant 32 : index
    %swap3A_34 = tpu.vector_load %arg7[%swap3A_33] {strides = array<i32>} : memref<448xi32, #tpu.memory_space<vmem>>, vector<16xi32>,
    %swap3A_35 = vector.shape_cast %swap3A_34 : vector<16xi32> to vector<16xi32>
    %swap3A_36 = vector.shape_cast %add3A_32 : vector<16xi32> to vector<16xi32>
    tpu.vector_store %arg7[%swap3A_33], %swap3A_36 {strides = array<i32>} : memref<448xi32, #tpu.memory_space<vmem>>, vector<16xi32>,
    %get3A_37 = arith.constant 48 : index
    %get3A_38 = tpu.vector_load %arg6[%get3A_37] {strides = array<i32>} : memref<112xi32, #tpu.memory_space<vmem>>, vector<16xi32>,
    %get3A_39 = vector.shape_cast %get3A_38 : vector<16xi32> to vector<16xi32>
    %add3A_40 = vector.broadcast %mul3A_11 : i32 to vector<16xi32>
    %add3A_41 = arith.addi %get3A_39, %add3A_40 : vector<16xi32>
    %swap3A_42 = arith.constant 48 : index
    %swap3A_43 = tpu.vector_load %arg7[%swap3A_42] {strides = array<i32>} : memref<448xi32, #tpu.memory_space<vmem>>, vector<16xi32>,
    %swap3A_44 = vector.shape_cast %swap3A_43 : vector<16xi32> to vector<16xi32>
    %swap3A_45 = vector.shape_cast %add3A_41 : vector<16xi32> to vector<16xi32>
    tpu.vector_store %arg7[%swap3A_42], %swap3A_45 {strides = array<i32>} : memref<448xi32, #tpu.memory_space<vmem>>, vector<16xi32>,
    %get3A_46 = arith.constant 64 : index
    %get3A_47 = tpu.vector_load %arg6[%get3A_46] {strides = array<i32>} : memref<112xi32, #tpu.memory_space<vmem>>, vector<16xi32>,
    %get3A_48 = vector.shape_cast %get3A_47 : vector<16xi32> to vector<16xi32>
    %add3A_49 = vector.broadcast %mul3A_11 : i32 to vector<16xi32>
    %add3A_50 = arith.addi %get3A_48, %add3A_49 : vector<16xi32>
    %swap3A_51 = arith.constant 64 : index
    %swap3A_52 = tpu.vector_load %arg7[%swap3A_51] {strides = array<i32>} : memref<448xi32, #tpu.memory_space<vmem>>, vector<16xi32>,
    %swap3A_53 = vector.shape_cast %swap3A_52 : vector<16xi32> to vector<16xi32>
    %swap3A_54 = vector.shape_cast %add3A_50 : vector<16xi32> to vector<16xi32>
    tpu.vector_store %arg7[%swap3A_51], %swap3A_54 {strides = array<i32>} : memref<448xi32, #tpu.memory_space<vmem>>, vector<16xi32>,
    %get3A_55 = arith.constant 80 : index
    %get3A_56 = tpu.vector_load %arg6[%get3A_55] {strides = array<i32>} : memref<112xi32, #tpu.memory_space<vmem>>, vector<16xi32>,
    %get3A_57 = vector.shape_cast %get3A_56 : vector<16xi32> to vector<16xi32>
    %add3A_58 = vector.broadcast %mul3A_11 : i32 to vector<16xi32>
    %add3A_59 = arith.addi %get3A_57, %add3A_58 : vector<16xi32>
    %swap3A_60 = arith.constant 80 : index
    %swap3A_61 = tpu.vector_load %arg7[%swap3A_60] {strides = array<i32>} : memref<448xi32, #tpu.memory_space<vmem>>, vector<16xi32>,
    %swap3A_62 = vector.shape_cast %swap3A_61 : vector<16xi32> to vector<16xi32>
    %swap3A_63 = vector.shape_cast %add3A_59 : vector<16xi32> to vector<16xi32>
    tpu.vector_store %arg7[%swap3A_60], %swap3A_63 {strides = array<i32>} : memref<448xi32, #tpu.memory_space<vmem>>, vector<16xi32>,
    %get3A_64 = arith.constant 96 : index
    %get3A_65 = tpu.vector_load %arg6[%get3A_64] {strides = array<i32>} : memref<112xi32, #tpu.memory_space<vmem>>, vector<16xi32>,
    %get3A_66 = vector.shape_cast %get3A_65 : vector<16xi32> to vector<16xi32>
    %add3A_67 = vector.broadcast %mul3A_11 : i32 to vector<16xi32>
    %add3A_68 = arith.addi %get3A_66, %add3A_67 : vector<16xi32>
    %swap3A_69 = arith.constant 96 : index
    %swap3A_70 = tpu.vector_load %arg7[%swap3A_69] {strides = array<i32>} : memref<448xi32, #tpu.memory_space<vmem>>, vector<16xi32>,
    %swap3A_71 = vector.shape_cast %swap3A_70 : vector<16xi32> to vector<16xi32>
    %swap3A_72 = vector.shape_cast %add3A_68 : vector<16xi32> to vector<16xi32>
    tpu.vector_store %arg7[%swap3A_69], %swap3A_72 {strides = array<i32>} : memref<448xi32, #tpu.memory_space<vmem>>, vector<16xi32>,
    %mul3A_73 = arith.constant 4 : i32
    %mul3A_74 = arith.muli %add3A, %mul3A_73 : i32
    %add3A_75 = arith.constant 1 : i32
    %add3A_76 = arith.addi %mul3A_74, %add3A_75 : i32
    %mul3A_77 = arith.constant 100000 : i32
    %mul3A_78 = arith.muli %add3A_76, %mul3A_77 : i32
    %get3A_79 = arith.constant 0 : index
    %get3A_80 = tpu.vector_load %arg6[%get3A_79] {strides = array<i32>} : memref<112xi32, #tpu.memory_space<vmem>>, vector<16xi32>,
    %get3A_81 = vector.shape_cast %get3A_80 : vector<16xi32> to vector<16xi32>
    %add3A_82 = vector.broadcast %mul3A_78 : i32 to vector<16xi32>
    %add3A_83 = arith.addi %get3A_81, %add3A_82 : vector<16xi32>
    %swap3A_84 = arith.constant 112 : index
    %swap3A_85 = tpu.vector_load %arg7[%swap3A_84] {strides = array<i32>} : memref<448xi32, #tpu.memory_space<vmem>>, vector<16xi32>,
    %swap3A_86 = vector.shape_cast %swap3A_85 : vector<16xi32> to vector<16xi32>
    %swap3A_87 = vector.shape_cast %add3A_83 : vector<16xi32> to vector<16xi32>
    tpu.vector_store %arg7[%swap3A_84], %swap3A_87 {strides = array<i32>} : memref<448xi32, #tpu.memory_space<vmem>>, vector<16xi32>,
    %get3A_88 = arith.constant 16 : index
    %get3A_89 = tpu.vector_load %arg6[%get3A_88] {strides = array<i32>} : memref<112xi32, #tpu.memory_space<vmem>>, vector<16xi32>,
    %get3A_90 = vector.shape_cast %get3A_89 : vector<16xi32> to vector<16xi32>
    %add3A_91 = vector.broadcast %mul3A_78 : i32 to vector<16xi32>
    %add3A_92 = arith.addi %get3A_90, %add3A_91 : vector<16xi32>
    %swap3A_93 = arith.constant 128 : index
    %swap3A_94 = tpu.vector_load %arg7[%swap3A_93] {strides = array<i32>} : memref<448xi32, #tpu.memory_space<vmem>>, vector<16xi32>,
    %swap3A_95 = vector.shape_cast %swap3A_94 : vector<16xi32> to vector<16xi32>
    %swap3A_96 = vector.shape_cast %add3A_92 : vector<16xi32> to vector<16xi32>
    tpu.vector_store %arg7[%swap3A_93], %swap3A_96 {strides = array<i32>} : memref<448xi32, #tpu.memory_space<vmem>>, vector<16xi32>,
    %get3A_97 = arith.constant 32 : index
    %get3A_98 = tpu.vector_load %arg6[%get3A_97] {strides = array<i32>} : memref<112xi32, #tpu.memory_space<vmem>>, vector<16xi32>,
    %get3A_99 = vector.shape_cast %get3A_98 : vector<16xi32> to vector<16xi32>
    %add3A_100 = vector.broadcast %mul3A_78 : i32 to vector<16xi32>
    %add3A_101 = arith.addi %get3A_99, %add3A_100 : vector<16xi32>
    %swap3A_102 = arith.constant 144 : index
    %swap3A_103 = tpu.vector_load %arg7[%swap3A_102] {strides = array<i32>} : memref<448xi32, #tpu.memory_space<vmem>>, vector<16xi32>,
    %swap3A_104 = vector.shape_cast %swap3A_103 : vector<16xi32> to vector<16xi32>
    %swap3A_105 = vector.shape_cast %add3A_101 : vector<16xi32> to vector<16xi32>
    tpu.vector_store %arg7[%swap3A_102], %swap3A_105 {strides = array<i32>} : memref<448xi32, #tpu.memory_space<vmem>>, vector<16xi32>,
    %get3A_106 = arith.constant 48 : index
    %get3A_107 = tpu.vector_load %arg6[%get3A_106] {strides = array<i32>} : memref<112xi32, #tpu.memory_space<vmem>>, vector<16xi32>,
    %get3A_108 = vector.shape_cast %get3A_107 : vector<16xi32> to vector<16xi32>
    %add3A_109 = vector.broadcast %mul3A_78 : i32 to vector<16xi32>
    %add3A_110 = arith.addi %get3A_108, %add3A_109 : vector<16xi32>
    %swap3A_111 = arith.constant 160 : index
    %swap3A_112 = tpu.vector_load %arg7[%swap3A_111] {strides = array<i32>} : memref<448xi32, #tpu.memory_space<vmem>>, vector<16xi32>,
    %swap3A_113 = vector.shape_cast %swap3A_112 : vector<16xi32> to vector<16xi32>
    %swap3A_114 = vector.shape_cast %add3A_110 : vector<16xi32> to vector<16xi32>
    tpu.vector_store %arg7[%swap3A_111], %swap3A_114 {strides = array<i32>} : memref<448xi32, #tpu.memory_space<vmem>>, vector<16xi32>,
    %get3A_115 = arith.constant 64 : index
    %get3A_116 = tpu.vector_load %arg6[%get3A_115] {strides = array<i32>} : memref<112xi32, #tpu.memory_space<vmem>>, vector<16xi32>,
    %get3A_117 = vector.shape_cast %get3A_116 : vector<16xi32> to vector<16xi32>
    %add3A_118 = vector.broadcast %mul3A_78 : i32 to vector<16xi32>
    %add3A_119 = arith.addi %get3A_117, %add3A_118 : vector<16xi32>
    %swap3A_120 = arith.constant 176 : index
    %swap3A_121 = tpu.vector_load %arg7[%swap3A_120] {strides = array<i32>} : memref<448xi32, #tpu.memory_space<vmem>>, vector<16xi32>,
    %swap3A_122 = vector.shape_cast %swap3A_121 : vector<16xi32> to vector<16xi32>
    %swap3A_123 = vector.shape_cast %add3A_119 : vector<16xi32> to vector<16xi32>
    tpu.vector_store %arg7[%swap3A_120], %swap3A_123 {strides = array<i32>} : memref<448xi32, #tpu.memory_space<vmem>>, vector<16xi32>,
    %get3A_124 = arith.constant 80 : index
    %get3A_125 = tpu.vector_load %arg6[%get3A_124] {strides = array<i32>} : memref<112xi32, #tpu.memory_space<vmem>>, vector<16xi32>,
    %get3A_126 = vector.shape_cast %get3A_125 : vector<16xi32> to vector<16xi32>
    %add3A_127 = vector.broadcast %mul3A_78 : i32 to vector<16xi32>
    %add3A_128 = arith.addi %get3A_126, %add3A_127 : vector<16xi32>
    %swap3A_129 = arith.constant 192 : index
    %swap3A_130 = tpu.vector_load %arg7[%swap3A_129] {strides = array<i32>} : memref<448xi32, #tpu.memory_space<vmem>>, vector<16xi32>,
    %swap3A_131 = vector.shape_cast %swap3A_130 : vector<16xi32> to vector<16xi32>
    %swap3A_132 = vector.shape_cast %add3A_128 : vector<16xi32> to vector<16xi32>
    tpu.vector_store %arg7[%swap3A_129], %swap3A_132 {strides = array<i32>} : memref<448xi32, #tpu.memory_space<vmem>>, vector<16xi32>,
    %get3A_133 = arith.constant 96 : index
    %get3A_134 = tpu.vector_load %arg6[%get3A_133] {strides = array<i32>} : memref<112xi32, #tpu.memory_space<vmem>>, vector<16xi32>,
    %get3A_135 = vector.shape_cast %get3A_134 : vector<16xi32> to vector<16xi32>
    %add3A_136 = vector.broadcast %mul3A_78 : i32 to vector<16xi32>
    %add3A_137 = arith.addi %get3A_135, %add3A_136 : vector<16xi32>
    %swap3A_138 = arith.constant 208 : index
    %swap3A_139 = tpu.vector_load %arg7[%swap3A_138] {strides = array<i32>} : memref<448xi32, #tpu.memory_space<vmem>>, vector<16xi32>,
    %swap3A_140 = vector.shape_cast %swap3A_139 : vector<16xi32> to vector<16xi32>
    %swap3A_141 = vector.shape_cast %add3A_137 : vector<16xi32> to vector<16xi32>
    tpu.vector_store %arg7[%swap3A_138], %swap3A_141 {strides = array<i32>} : memref<448xi32, #tpu.memory_space<vmem>>, vector<16xi32>,
    %mul3A_142 = arith.constant 4 : i32
    %mul3A_143 = arith.muli %add3A, %mul3A_142 : i32
    %add3A_144 = arith.constant 2 : i32
    %add3A_145 = arith.addi %mul3A_143, %add3A_144 : i32
    %mul3A_146 = arith.constant 100000 : i32
    %mul3A_147 = arith.muli %add3A_145, %mul3A_146 : i32
    %get3A_148 = arith.constant 0 : index
    %get3A_149 = tpu.vector_load %arg6[%get3A_148] {strides = array<i32>} : memref<112xi32, #tpu.memory_space<vmem>>, vector<16xi32>,
    %get3A_150 = vector.shape_cast %get3A_149 : vector<16xi32> to vector<16xi32>
    %add3A_151 = vector.broadcast %mul3A_147 : i32 to vector<16xi32>
    %add3A_152 = arith.addi %get3A_150, %add3A_151 : vector<16xi32>
    %swap3A_153 = arith.constant 224 : index
    %swap3A_154 = tpu.vector_load %arg7[%swap3A_153] {strides = array<i32>} : memref<448xi32, #tpu.memory_space<vmem>>, vector<16xi32>,
    %swap3A_155 = vector.shape_cast %swap3A_154 : vector<16xi32> to vector<16xi32>
    %swap3A_156 = vector.shape_cast %add3A_152 : vector<16xi32> to vector<16xi32>
    tpu.vector_store %arg7[%swap3A_153], %swap3A_156 {strides = array<i32>} : memref<448xi32, #tpu.memory_space<vmem>>, vector<16xi32>,
    %get3A_157 = arith.constant 16 : index
    %get3A_158 = tpu.vector_load %arg6[%get3A_157] {strides = array<i32>} : memref<112xi32, #tpu.memory_space<vmem>>, vector<16xi32>,
    %get3A_159 = vector.shape_cast %get3A_158 : vector<16xi32> to vector<16xi32>
    %add3A_160 = vector.broadcast %mul3A_147 : i32 to vector<16xi32>
    %add3A_161 = arith.addi %get3A_159, %add3A_160 : vector<16xi32>
    %swap3A_162 = arith.constant 240 : index
    %swap3A_163 = tpu.vector_load %arg7[%swap3A_162] {strides = array<i32>} : memref<448xi32, #tpu.memory_space<vmem>>, vector<16xi32>,
    %swap3A_164 = vector.shape_cast %swap3A_163 : vector<16xi32> to vector<16xi32>
    %swap3A_165 = vector.shape_cast %add3A_161 : vector<16xi32> to vector<16xi32>
    tpu.vector_store %arg7[%swap3A_162], %swap3A_165 {strides = array<i32>} : memref<448xi32, #tpu.memory_space<vmem>>, vector<16xi32>,
    %get3A_166 = arith.constant 32 : index
    %get3A_167 = tpu.vector_load %arg6[%get3A_166] {strides = array<i32>} : memref<112xi32, #tpu.memory_space<vmem>>, vector<16xi32>,
    %get3A_168 = vector.shape_cast %get3A_167 : vector<16xi32> to vector<16xi32>
    %add3A_169 = vector.broadcast %mul3A_147 : i32 to vector<16xi32>
    %add3A_170 = arith.addi %get3A_168, %add3A_169 : vector<16xi32>
    %swap3A_171 = arith.constant 256 : index
    %swap3A_172 = tpu.vector_load %arg7[%swap3A_171] {strides = array<i32>} : memref<448xi32, #tpu.memory_space<vmem>>, vector<16xi32>,
    %swap3A_173 = vector.shape_cast %swap3A_172 : vector<16xi32> to vector<16xi32>
    %swap3A_174 = vector.shape_cast %add3A_170 : vector<16xi32> to vector<16xi32>
    tpu.vector_store %arg7[%swap3A_171], %swap3A_174 {strides = array<i32>} : memref<448xi32, #tpu.memory_space<vmem>>, vector<16xi32>,
    %get3A_175 = arith.constant 48 : index
    %get3A_176 = tpu.vector_load %arg6[%get3A_175] {strides = array<i32>} : memref<112xi32, #tpu.memory_space<vmem>>, vector<16xi32>,
    %get3A_177 = vector.shape_cast %get3A_176 : vector<16xi32> to vector<16xi32>
    %add3A_178 = vector.broadcast %mul3A_147 : i32 to vector<16xi32>
    %add3A_179 = arith.addi %get3A_177, %add3A_178 : vector<16xi32>
    %swap3A_180 = arith.constant 272 : index
    %swap3A_181 = tpu.vector_load %arg7[%swap3A_180] {strides = array<i32>} : memref<448xi32, #tpu.memory_space<vmem>>, vector<16xi32>,
    %swap3A_182 = vector.shape_cast %swap3A_181 : vector<16xi32> to vector<16xi32>
    %swap3A_183 = vector.shape_cast %add3A_179 : vector<16xi32> to vector<16xi32>
    tpu.vector_store %arg7[%swap3A_180], %swap3A_183 {strides = array<i32>} : memref<448xi32, #tpu.memory_space<vmem>>, vector<16xi32>,
    %get3A_184 = arith.constant 64 : index
    %get3A_185 = tpu.vector_load %arg6[%get3A_184] {strides = array<i32>} : memref<112xi32, #tpu.memory_space<vmem>>, vector<16xi32>,
    %get3A_186 = vector.shape_cast %get3A_185 : vector<16xi32> to vector<16xi32>
    %add3A_187 = vector.broadcast %mul3A_147 : i32 to vector<16xi32>
    %add3A_188 = arith.addi %get3A_186, %add3A_187 : vector<16xi32>
    %swap3A_189 = arith.constant 288 : index
    %swap3A_190 = tpu.vector_load %arg7[%swap3A_189] {strides = array<i32>} : memref<448xi32, #tpu.memory_space<vmem>>, vector<16xi32>,
    %swap3A_191 = vector.shape_cast %swap3A_190 : vector<16xi32> to vector<16xi32>
    %swap3A_192 = vector.shape_cast %add3A_188 : vector<16xi32> to vector<16xi32>
    tpu.vector_store %arg7[%swap3A_189], %swap3A_192 {strides = array<i32>} : memref<448xi32, #tpu.memory_space<vmem>>, vector<16xi32>,
    %get3A_193 = arith.constant 80 : index
    %get3A_194 = tpu.vector_load %arg6[%get3A_193] {strides = array<i32>} : memref<112xi32, #tpu.memory_space<vmem>>, vector<16xi32>,
    %get3A_195 = vector.shape_cast %get3A_194 : vector<16xi32> to vector<16xi32>
    %add3A_196 = vector.broadcast %mul3A_147 : i32 to vector<16xi32>
    %add3A_197 = arith.addi %get3A_195, %add3A_196 : vector<16xi32>
    %swap3A_198 = arith.constant 304 : index
    %swap3A_199 = tpu.vector_load %arg7[%swap3A_198] {strides = array<i32>} : memref<448xi32, #tpu.memory_space<vmem>>, vector<16xi32>,
    %swap3A_200 = vector.shape_cast %swap3A_199 : vector<16xi32> to vector<16xi32>
    %swap3A_201 = vector.shape_cast %add3A_197 : vector<16xi32> to vector<16xi32>
    tpu.vector_store %arg7[%swap3A_198], %swap3A_201 {strides = array<i32>} : memref<448xi32, #tpu.memory_space<vmem>>, vector<16xi32>,
    %get3A_202 = arith.constant 96 : index
    %get3A_203 = tpu.vector_load %arg6[%get3A_202] {strides = array<i32>} : memref<112xi32, #tpu.memory_space<vmem>>, vector<16xi32>,
    %get3A_204 = vector.shape_cast %get3A_203 : vector<16xi32> to vector<16xi32>
    %add3A_205 = vector.broadcast %mul3A_147 : i32 to vector<16xi32>
    %add3A_206 = arith.addi %get3A_204, %add3A_205 : vector<16xi32>
    %swap3A_207 = arith.constant 320 : index
    %swap3A_208 = tpu.vector_load %arg7[%swap3A_207] {strides = array<i32>} : memref<448xi32, #tpu.memory_space<vmem>>, vector<16xi32>,
    %swap3A_209 = vector.shape_cast %swap3A_208 : vector<16xi32> to vector<16xi32>
    %swap3A_210 = vector.shape_cast %add3A_206 : vector<16xi32> to vector<16xi32>
    tpu.vector_store %arg7[%swap3A_207], %swap3A_210 {strides = array<i32>} : memref<448xi32, #tpu.memory_space<vmem>>, vector<16xi32>,
    %mul3A_211 = arith.constant 4 : i32
    %mul3A_212 = arith.muli %add3A, %mul3A_211 : i32
    %add3A_213 = arith.constant 3 : i32
    %add3A_214 = arith.addi %mul3A_212, %add3A_213 : i32
    %mul3A_215 = arith.constant 100000 : i32
    %mul3A_216 = arith.muli %add3A_214, %mul3A_215 : i32
    %get3A_217 = arith.constant 0 : index
    %get3A_218 = tpu.vector_load %arg6[%get3A_217] {strides = array<i32>} : memref<112xi32, #tpu.memory_space<vmem>>, vector<16xi32>,
    %get3A_219 = vector.shape_cast %get3A_218 : vector<16xi32> to vector<16xi32>
    %add3A_220 = vector.broadcast %mul3A_216 : i32 to vector<16xi32>
    %add3A_221 = arith.addi %get3A_219, %add3A_220 : vector<16xi32>
    %swap3A_222 = arith.constant 336 : index
    %swap3A_223 = tpu.vector_load %arg7[%swap3A_222] {strides = array<i32>} : memref<448xi32, #tpu.memory_space<vmem>>, vector<16xi32>,
    %swap3A_224 = vector.shape_cast %swap3A_223 : vector<16xi32> to vector<16xi32>
    %swap3A_225 = vector.shape_cast %add3A_221 : vector<16xi32> to vector<16xi32>
    tpu.vector_store %arg7[%swap3A_222], %swap3A_225 {strides = array<i32>} : memref<448xi32, #tpu.memory_space<vmem>>, vector<16xi32>,
    %get3A_226 = arith.constant 16 : index
    %get3A_227 = tpu.vector_load %arg6[%get3A_226] {strides = array<i32>} : memref<112xi32, #tpu.memory_space<vmem>>, vector<16xi32>,
    %get3A_228 = vector.shape_cast %get3A_227 : vector<16xi32> to vector<16xi32>
    %add3A_229 = vector.broadcast %mul3A_216 : i32 to vector<16xi32>
    %add3A_230 = arith.addi %get3A_228, %add3A_229 : vector<16xi32>
    %swap3A_231 = arith.constant 352 : index
    %swap3A_232 = tpu.vector_load %arg7[%swap3A_231] {strides = array<i32>} : memref<448xi32, #tpu.memory_space<vmem>>, vector<16xi32>,
    %swap3A_233 = vector.shape_cast %swap3A_232 : vector<16xi32> to vector<16xi32>
    %swap3A_234 = vector.shape_cast %add3A_230 : vector<16xi32> to vector<16xi32>
    tpu.vector_store %arg7[%swap3A_231], %swap3A_234 {strides = array<i32>} : memref<448xi32, #tpu.memory_space<vmem>>, vector<16xi32>,
    %get3A_235 = arith.constant 32 : index
    %get3A_236 = tpu.vector_load %arg6[%get3A_235] {strides = array<i32>} : memref<112xi32, #tpu.memory_space<vmem>>, vector<16xi32>,
    %get3A_237 = vector.shape_cast %get3A_236 : vector<16xi32> to vector<16xi32>
    %add3A_238 = vector.broadcast %mul3A_216 : i32 to vector<16xi32>
    %add3A_239 = arith.addi %get3A_237, %add3A_238 : vector<16xi32>
    %swap3A_240 = arith.constant 368 : index
    %swap3A_241 = tpu.vector_load %arg7[%swap3A_240] {strides = array<i32>} : memref<448xi32, #tpu.memory_space<vmem>>, vector<16xi32>,
    %swap3A_242 = vector.shape_cast %swap3A_241 : vector<16xi32> to vector<16xi32>
    %swap3A_243 = vector.shape_cast %add3A_239 : vector<16xi32> to vector<16xi32>
    tpu.vector_store %arg7[%swap3A_240], %swap3A_243 {strides = array<i32>} : memref<448xi32, #tpu.memory_space<vmem>>, vector<16xi32>,
    %get3A_244 = arith.constant 48 : index
    %get3A_245 = tpu.vector_load %arg6[%get3A_244] {strides = array<i32>} : memref<112xi32, #tpu.memory_space<vmem>>, vector<16xi32>,
    %get3A_246 = vector.shape_cast %get3A_245 : vector<16xi32> to vector<16xi32>
    %add3A_247 = vector.broadcast %mul3A_216 : i32 to vector<16xi32>
    %add3A_248 = arith.addi %get3A_246, %add3A_247 : vector<16xi32>
    %swap3A_249 = arith.constant 384 : index
    %swap3A_250 = tpu.vector_load %arg7[%swap3A_249] {strides = array<i32>} : memref<448xi32, #tpu.memory_space<vmem>>, vector<16xi32>,
    %swap3A_251 = vector.shape_cast %swap3A_250 : vector<16xi32> to vector<16xi32>
    %swap3A_252 = vector.shape_cast %add3A_248 : vector<16xi32> to vector<16xi32>
    tpu.vector_store %arg7[%swap3A_249], %swap3A_252 {strides = array<i32>} : memref<448xi32, #tpu.memory_space<vmem>>, vector<16xi32>,
    %get3A_253 = arith.constant 64 : index
    %get3A_254 = tpu.vector_load %arg6[%get3A_253] {strides = array<i32>} : memref<112xi32, #tpu.memory_space<vmem>>, vector<16xi32>,
    %get3A_255 = vector.shape_cast %get3A_254 : vector<16xi32> to vector<16xi32>
    %add3A_256 = vector.broadcast %mul3A_216 : i32 to vector<16xi32>
    %add3A_257 = arith.addi %get3A_255, %add3A_256 : vector<16xi32>
    %swap3A_258 = arith.constant 400 : index
    %swap3A_259 = tpu.vector_load %arg7[%swap3A_258] {strides = array<i32>} : memref<448xi32, #tpu.memory_space<vmem>>, vector<16xi32>,
    %swap3A_260 = vector.shape_cast %swap3A_259 : vector<16xi32> to vector<16xi32>
    %swap3A_261 = vector.shape_cast %add3A_257 : vector<16xi32> to vector<16xi32>
    tpu.vector_store %arg7[%swap3A_258], %swap3A_261 {strides = array<i32>} : memref<448xi32, #tpu.memory_space<vmem>>, vector<16xi32>,
    %get3A_262 = arith.constant 80 : index
    %get3A_263 = tpu.vector_load %arg6[%get3A_262] {strides = array<i32>} : memref<112xi32, #tpu.memory_space<vmem>>, vector<16xi32>,
    %get3A_264 = vector.shape_cast %get3A_263 : vector<16xi32> to vector<16xi32>
    %add3A_265 = vector.broadcast %mul3A_216 : i32 to vector<16xi32>
    %add3A_266 = arith.addi %get3A_264, %add3A_265 : vector<16xi32>
    %swap3A_267 = arith.constant 416 : index
    %swap3A_268 = tpu.vector_load %arg7[%swap3A_267] {strides = array<i32>} : memref<448xi32, #tpu.memory_space<vmem>>, vector<16xi32>,
    %swap3A_269 = vector.shape_cast %swap3A_268 : vector<16xi32> to vector<16xi32>
    %swap3A_270 = vector.shape_cast %add3A_266 : vector<16xi32> to vector<16xi32>
    tpu.vector_store %arg7[%swap3A_267], %swap3A_270 {strides = array<i32>} : memref<448xi32, #tpu.memory_space<vmem>>, vector<16xi32>,
    %get3A_271 = arith.constant 96 : index
    %get3A_272 = tpu.vector_load %arg6[%get3A_271] {strides = array<i32>} : memref<112xi32, #tpu.memory_space<vmem>>, vector<16xi32>,
    %get3A_273 = vector.shape_cast %get3A_272 : vector<16xi32> to vector<16xi32>
    %add3A_274 = vector.broadcast %mul3A_216 : i32 to vector<16xi32>
    %add3A_275 = arith.addi %get3A_273, %add3A_274 : vector<16xi32>
    %swap3A_276 = arith.constant 432 : index
    %swap3A_277 = tpu.vector_load %arg7[%swap3A_276] {strides = array<i32>} : memref<448xi32, #tpu.memory_space<vmem>>, vector<16xi32>,
    %swap3A_278 = vector.shape_cast %swap3A_277 : vector<16xi32> to vector<16xi32>
    %swap3A_279 = vector.shape_cast %add3A_275 : vector<16xi32> to vector<16xi32>
    tpu.vector_store %arg7[%swap3A_276], %swap3A_279 {strides = array<i32>} : memref<448xi32, #tpu.memory_space<vmem>>, vector<16xi32>,
    %dma_start3A = arith.constant 0 : i32
    %dma_start3A_280 = tpu.memref_slice %arg2[%dma_start3A] : memref<12800000xf32, #tpu.memory_space<hbm>> -> memref<12800000xf32, #tpu.memory_space<hbm>>
    tpu.enqueue_indirect_dma source(%dma_start3A_280 : memref<12800000xf32, #tpu.memory_space<hbm>>) target(%arg8 : memref<448xf32, #tpu.memory_space<vmem>>) offsets(%arg7 : memref<448xi32, #tpu.memory_space<vmem>>) semaphore(%arg9 : memref<!tpu.dma_semaphore, #tpu.memory_space<semaphore_mem>>)
    %mul3A_281 = arith.constant 4 : i32
    %mul3A_282 = arith.muli %add3A, %mul3A_281 : i32
    %add3A_283 = arith.constant 0 : i32
    %add3A_284 = arith.addi %mul3A_282, %add3A_283 : i32
    %mul3A_285 = arith.constant 100000 : i32
    %mul3A_286 = arith.muli %add3A_284, %mul3A_285 : i32
    %add3A_287 = arith.constant 0 : i32
    %add3A_288 = arith.addi %mul3A_286, %add3A_287 : i32
    %mul3A_289 = arith.constant 4 : i32
    %mul3A_290 = arith.muli %add3A, %mul3A_289 : i32
    %add3A_291 = arith.constant 0 : i32
    %add3A_292 = arith.addi %mul3A_290, %add3A_291 : i32
    %mul3A_293 = arith.constant 100000 : i32
    %mul3A_294 = arith.muli %add3A_292, %mul3A_293 : i32
    %add3A_295 = arith.constant 20000 : i32
    %add3A_296 = arith.addi %mul3A_294, %add3A_295 : i32
    %mul3A_297 = arith.constant 4 : i32
    %mul3A_298 = arith.muli %add3A, %mul3A_297 : i32
    %add3A_299 = arith.constant 0 : i32
    %add3A_300 = arith.addi %mul3A_298, %add3A_299 : i32
    %mul3A_301 = arith.constant 100000 : i32
    %mul3A_302 = arith.muli %add3A_300, %mul3A_301 : i32
    %add3A_303 = arith.constant 40000 : i32
    %add3A_304 = arith.addi %mul3A_302, %add3A_303 : i32
    %mul3A_305 = arith.constant 4 : i32
    %mul3A_306 = arith.muli %add3A, %mul3A_305 : i32
    %add3A_307 = arith.constant 0 : i32
    %add3A_308 = arith.addi %mul3A_306, %add3A_307 : i32
    %mul3A_309 = arith.constant 100000 : i32
    %mul3A_310 = arith.muli %add3A_308, %mul3A_309 : i32
    %add3A_311 = arith.constant 60000 : i32
    %add3A_312 = arith.addi %mul3A_310, %add3A_311 : i32
    %mul3A_313 = arith.constant 4 : i32
    %mul3A_314 = arith.muli %add3A, %mul3A_313 : i32
    %add3A_315 = arith.constant 0 : i32
    %add3A_316 = arith.addi %mul3A_314, %add3A_315 : i32
    %mul3A_317 = arith.constant 100000 : i32
    %mul3A_318 = arith.muli %add3A_316, %mul3A_317 : i32
    %add3A_319 = arith.constant 80000 : i32
    %add3A_320 = arith.addi %mul3A_318, %add3A_319 : i32
    %mul3A_321 = arith.constant 4 : i32
    %mul3A_322 = arith.muli %add3A, %mul3A_321 : i32
    %add3A_323 = arith.constant 1 : i32
    %add3A_324 = arith.addi %mul3A_322, %add3A_323 : i32
    %mul3A_325 = arith.constant 100000 : i32
    %mul3A_326 = arith.muli %add3A_324, %mul3A_325 : i32
    %add3A_327 = arith.constant 0 : i32
    %add3A_328 = arith.addi %mul3A_326, %add3A_327 : i32
    %mul3A_329 = arith.constant 4 : i32
    %mul3A_330 = arith.muli %add3A, %mul3A_329 : i32
    %add3A_331 = arith.constant 1 : i32
    %add3A_332 = arith.addi %mul3A_330, %add3A_331 : i32
    %mul3A_333 = arith.constant 100000 : i32
    %mul3A_334 = arith.muli %add3A_332, %mul3A_333 : i32
    %add3A_335 = arith.constant 20000 : i32
    %add3A_336 = arith.addi %mul3A_334, %add3A_335 : i32
    %mul3A_337 = arith.constant 4 : i32
    %mul3A_338 = arith.muli %add3A, %mul3A_337 : i32
    %add3A_339 = arith.constant 1 : i32
    %add3A_340 = arith.addi %mul3A_338, %add3A_339 : i32
    %mul3A_341 = arith.constant 100000 : i32
    %mul3A_342 = arith.muli %add3A_340, %mul3A_341 : i32
    %add3A_343 = arith.constant 40000 : i32
    %add3A_344 = arith.addi %mul3A_342, %add3A_343 : i32
    %mul3A_345 = arith.constant 4 : i32
    %mul3A_346 = arith.muli %add3A, %mul3A_345 : i32
    %add3A_347 = arith.constant 1 : i32
    %add3A_348 = arith.addi %mul3A_346, %add3A_347 : i32
    %mul3A_349 = arith.constant 100000 : i32
    %mul3A_350 = arith.muli %add3A_348, %mul3A_349 : i32
    %add3A_351 = arith.constant 60000 : i32
    %add3A_352 = arith.addi %mul3A_350, %add3A_351 : i32
    %mul3A_353 = arith.constant 4 : i32
    %mul3A_354 = arith.muli %add3A, %mul3A_353 : i32
    %add3A_355 = arith.constant 1 : i32
    %add3A_356 = arith.addi %mul3A_354, %add3A_355 : i32
    %mul3A_357 = arith.constant 100000 : i32
    %mul3A_358 = arith.muli %add3A_356, %mul3A_357 : i32
    %add3A_359 = arith.constant 80000 : i32
    %add3A_360 = arith.addi %mul3A_358, %add3A_359 : i32
    %mul3A_361 = arith.constant 4 : i32
    %mul3A_362 = arith.muli %add3A, %mul3A_361 : i32
    %add3A_363 = arith.constant 2 : i32
    %add3A_364 = arith.addi %mul3A_362, %add3A_363 : i32
    %mul3A_365 = arith.constant 100000 : i32
    %mul3A_366 = arith.muli %add3A_364, %mul3A_365 : i32
    %add3A_367 = arith.constant 0 : i32
    %add3A_368 = arith.addi %mul3A_366, %add3A_367 : i32
    %mul3A_369 = arith.constant 4 : i32
    %mul3A_370 = arith.muli %add3A, %mul3A_369 : i32
    %add3A_371 = arith.constant 2 : i32
    %add3A_372 = arith.addi %mul3A_370, %add3A_371 : i32
    %mul3A_373 = arith.constant 100000 : i32
    %mul3A_374 = arith.muli %add3A_372, %mul3A_373 : i32
    %add3A_375 = arith.constant 20000 : i32
    %add3A_376 = arith.addi %mul3A_374, %add3A_375 : i32
    %mul3A_377 = arith.constant 4 : i32
    %mul3A_378 = arith.muli %add3A, %mul3A_377 : i32
    %add3A_379 = arith.constant 2 : i32
    %add3A_380 = arith.addi %mul3A_378, %add3A_379 : i32
    %mul3A_381 = arith.constant 100000 : i32
    %mul3A_382 = arith.muli %add3A_380, %mul3A_381 : i32
    %add3A_383 = arith.constant 40000 : i32
    %add3A_384 = arith.addi %mul3A_382, %add3A_383 : i32
    %mul3A_385 = arith.constant 4 : i32
    %mul3A_386 = arith.muli %add3A, %mul3A_385 : i32
    %add3A_387 = arith.constant 2 : i32
    %add3A_388 = arith.addi %mul3A_386, %add3A_387 : i32
    %mul3A_389 = arith.constant 100000 : i32
    %mul3A_390 = arith.muli %add3A_388, %mul3A_389 : i32
    %add3A_391 = arith.constant 60000 : i32
    %add3A_392 = arith.addi %mul3A_390, %add3A_391 : i32
    %mul3A_393 = arith.constant 4 : i32
    %mul3A_394 = arith.muli %add3A, %mul3A_393 : i32
    %add3A_395 = arith.constant 2 : i32
    %add3A_396 = arith.addi %mul3A_394, %add3A_395 : i32
    %mul3A_397 = arith.constant 100000 : i32
    %mul3A_398 = arith.muli %add3A_396, %mul3A_397 : i32
    %add3A_399 = arith.constant 80000 : i32
    %add3A_400 = arith.addi %mul3A_398, %add3A_399 : i32
    %mul3A_401 = arith.constant 4 : i32
    %mul3A_402 = arith.muli %add3A, %mul3A_401 : i32
    %add3A_403 = arith.constant 3 : i32
    %add3A_404 = arith.addi %mul3A_402, %add3A_403 : i32
    %mul3A_405 = arith.constant 100000 : i32
    %mul3A_406 = arith.muli %add3A_404, %mul3A_405 : i32
    %add3A_407 = arith.constant 0 : i32
    %add3A_408 = arith.addi %mul3A_406, %add3A_407 : i32
    %mul3A_409 = arith.constant 4 : i32
    %mul3A_410 = arith.muli %add3A, %mul3A_409 : i32
    %add3A_411 = arith.constant 3 : i32
    %add3A_412 = arith.addi %mul3A_410, %add3A_411 : i32
    %mul3A_413 = arith.constant 100000 : i32
    %mul3A_414 = arith.muli %add3A_412, %mul3A_413 : i32
    %add3A_415 = arith.constant 20000 : i32
    %add3A_416 = arith.addi %mul3A_414, %add3A_415 : i32
    %mul3A_417 = arith.constant 4 : i32
    %mul3A_418 = arith.muli %add3A, %mul3A_417 : i32
    %add3A_419 = arith.constant 3 : i32
    %add3A_420 = arith.addi %mul3A_418, %add3A_419 : i32
    %mul3A_421 = arith.constant 100000 : i32
    %mul3A_422 = arith.muli %add3A_420, %mul3A_421 : i32
    %add3A_423 = arith.constant 40000 : i32
    %add3A_424 = arith.addi %mul3A_422, %add3A_423 : i32
    %mul3A_425 = arith.constant 4 : i32
    %mul3A_426 = arith.muli %add3A, %mul3A_425 : i32
    %add3A_427 = arith.constant 3 : i32
    %add3A_428 = arith.addi %mul3A_426, %add3A_427 : i32
    %mul3A_429 = arith.constant 100000 : i32
    %mul3A_430 = arith.muli %add3A_428, %mul3A_429 : i32
    %add3A_431 = arith.constant 60000 : i32
    %add3A_432 = arith.addi %mul3A_430, %add3A_431 : i32
    %mul3A_433 = arith.constant 4 : i32
    %mul3A_434 = arith.muli %add3A, %mul3A_433 : i32
    %add3A_435 = arith.constant 3 : i32
    %add3A_436 = arith.addi %mul3A_434, %add3A_435 : i32
    %mul3A_437 = arith.constant 100000 : i32
    %mul3A_438 = arith.muli %add3A_436, %mul3A_437 : i32
    %add3A_439 = arith.constant 80000 : i32
    %add3A_440 = arith.addi %mul3A_438, %add3A_439 : i32
    %dma_start3A_441 = tpu.memref_slice %arg4[%add3A_288] : memref<12800000xf32, #tpu.memory_space<hbm>> -> memref<20000xf32, #tpu.memory_space<hbm>>
    %dma_start3A_442 = tpu.memref_slice %arg4[%add3A_288] : memref<12800000xf32, #tpu.memory_space<hbm>> -> memref<20000xf32, #tpu.memory_space<hbm>>
    tpu.enqueue_dma source(%arg5 : memref<20000xf32, #tpu.memory_space<vmem>>) target(%dma_start3A_442 : memref<20000xf32, #tpu.memory_space<hbm>>) target_semaphore(%arg10 : memref<!tpu.dma_semaphore, #tpu.memory_space<semaphore_mem>>)
    %dma_start3A_443 = tpu.memref_slice %arg4[%add3A_296] : memref<12800000xf32, #tpu.memory_space<hbm>> -> memref<20000xf32, #tpu.memory_space<hbm>>
    %dma_start3A_444 = tpu.memref_slice %arg4[%add3A_296] : memref<12800000xf32, #tpu.memory_space<hbm>> -> memref<20000xf32, #tpu.memory_space<hbm>>
    tpu.enqueue_dma source(%arg5 : memref<20000xf32, #tpu.memory_space<vmem>>) target(%dma_start3A_444 : memref<20000xf32, #tpu.memory_space<hbm>>) target_semaphore(%arg10 : memref<!tpu.dma_semaphore, #tpu.memory_space<semaphore_mem>>)
    %dma_start3A_445 = tpu.memref_slice %arg4[%add3A_304] : memref<12800000xf32, #tpu.memory_space<hbm>> -> memref<20000xf32, #tpu.memory_space<hbm>>
    %dma_start3A_446 = tpu.memref_slice %arg4[%add3A_304] : memref<12800000xf32, #tpu.memory_space<hbm>> -> memref<20000xf32, #tpu.memory_space<hbm>>
    tpu.enqueue_dma source(%arg5 : memref<20000xf32, #tpu.memory_space<vmem>>) target(%dma_start3A_446 : memref<20000xf32, #tpu.memory_space<hbm>>) target_semaphore(%arg10 : memref<!tpu.dma_semaphore, #tpu.memory_space<semaphore_mem>>)
    %dma_start3A_447 = tpu.memref_slice %arg4[%add3A_312] : memref<12800000xf32, #tpu.memory_space<hbm>> -> memref<20000xf32, #tpu.memory_space<hbm>>
    %dma_start3A_448 = tpu.memref_slice %arg4[%add3A_312] : memref<12800000xf32, #tpu.memory_space<hbm>> -> memref<20000xf32, #tpu.memory_space<hbm>>
    tpu.enqueue_dma source(%arg5 : memref<20000xf32, #tpu.memory_space<vmem>>) target(%dma_start3A_448 : memref<20000xf32, #tpu.memory_space<hbm>>) target_semaphore(%arg10 : memref<!tpu.dma_semaphore, #tpu.memory_space<semaphore_mem>>)
    %dma_start3A_449 = tpu.memref_slice %arg4[%add3A_320] : memref<12800000xf32, #tpu.memory_space<hbm>> -> memref<20000xf32, #tpu.memory_space<hbm>>
    %dma_start3A_450 = tpu.memref_slice %arg4[%add3A_320] : memref<12800000xf32, #tpu.memory_space<hbm>> -> memref<20000xf32, #tpu.memory_space<hbm>>
    tpu.enqueue_dma source(%arg5 : memref<20000xf32, #tpu.memory_space<vmem>>) target(%dma_start3A_450 : memref<20000xf32, #tpu.memory_space<hbm>>) target_semaphore(%arg10 : memref<!tpu.dma_semaphore, #tpu.memory_space<semaphore_mem>>)
    %dma_start3A_451 = tpu.memref_slice %arg4[%add3A_328] : memref<12800000xf32, #tpu.memory_space<hbm>> -> memref<20000xf32, #tpu.memory_space<hbm>>
    %dma_start3A_452 = tpu.memref_slice %arg4[%add3A_328] : memref<12800000xf32, #tpu.memory_space<hbm>> -> memref<20000xf32, #tpu.memory_space<hbm>>
    tpu.enqueue_dma source(%arg5 : memref<20000xf32, #tpu.memory_space<vmem>>) target(%dma_start3A_452 : memref<20000xf32, #tpu.memory_space<hbm>>) target_semaphore(%arg10 : memref<!tpu.dma_semaphore, #tpu.memory_space<semaphore_mem>>)
    %dma_start3A_453 = tpu.memref_slice %arg4[%add3A_336] : memref<12800000xf32, #tpu.memory_space<hbm>> -> memref<20000xf32, #tpu.memory_space<hbm>>
    %dma_start3A_454 = tpu.memref_slice %arg4[%add3A_336] : memref<12800000xf32, #tpu.memory_space<hbm>> -> memref<20000xf32, #tpu.memory_space<hbm>>
    tpu.enqueue_dma source(%arg5 : memref<20000xf32, #tpu.memory_space<vmem>>) target(%dma_start3A_454 : memref<20000xf32, #tpu.memory_space<hbm>>) target_semaphore(%arg10 : memref<!tpu.dma_semaphore, #tpu.memory_space<semaphore_mem>>)
    %dma_start3A_455 = tpu.memref_slice %arg4[%add3A_344] : memref<12800000xf32, #tpu.memory_space<hbm>> -> memref<20000xf32, #tpu.memory_space<hbm>>
    %dma_start3A_456 = tpu.memref_slice %arg4[%add3A_344] : memref<12800000xf32, #tpu.memory_space<hbm>> -> memref<20000xf32, #tpu.memory_space<hbm>>
    tpu.enqueue_dma source(%arg5 : memref<20000xf32, #tpu.memory_space<vmem>>) target(%dma_start3A_456 : memref<20000xf32, #tpu.memory_space<hbm>>) target_semaphore(%arg10 : memref<!tpu.dma_semaphore, #tpu.memory_space<semaphore_mem>>)
    %dma_start3A_457 = tpu.memref_slice %arg4[%add3A_352] : memref<12800000xf32, #tpu.memory_space<hbm>> -> memref<20000xf32, #tpu.memory_space<hbm>>
    %dma_start3A_458 = tpu.memref_slice %arg4[%add3A_352] : memref<12800000xf32, #tpu.memory_space<hbm>> -> memref<20000xf32, #tpu.memory_space<hbm>>
    tpu.enqueue_dma source(%arg5 : memref<20000xf32, #tpu.memory_space<vmem>>) target(%dma_start3A_458 : memref<20000xf32, #tpu.memory_space<hbm>>) target_semaphore(%arg10 : memref<!tpu.dma_semaphore, #tpu.memory_space<semaphore_mem>>)
    %dma_start3A_459 = tpu.memref_slice %arg4[%add3A_360] : memref<12800000xf32, #tpu.memory_space<hbm>> -> memref<20000xf32, #tpu.memory_space<hbm>>
    %dma_start3A_460 = tpu.memref_slice %arg4[%add3A_360] : memref<12800000xf32, #tpu.memory_space<hbm>> -> memref<20000xf32, #tpu.memory_space<hbm>>
    tpu.enqueue_dma source(%arg5 : memref<20000xf32, #tpu.memory_space<vmem>>) target(%dma_start3A_460 : memref<20000xf32, #tpu.memory_space<hbm>>) target_semaphore(%arg10 : memref<!tpu.dma_semaphore, #tpu.memory_space<semaphore_mem>>)
    %dma_start3A_461 = tpu.memref_slice %arg4[%add3A_368] : memref<12800000xf32, #tpu.memory_space<hbm>> -> memref<20000xf32, #tpu.memory_space<hbm>>
    %dma_start3A_462 = tpu.memref_slice %arg4[%add3A_368] : memref<12800000xf32, #tpu.memory_space<hbm>> -> memref<20000xf32, #tpu.memory_space<hbm>>
    tpu.enqueue_dma source(%arg5 : memref<20000xf32, #tpu.memory_space<vmem>>) target(%dma_start3A_462 : memref<20000xf32, #tpu.memory_space<hbm>>) target_semaphore(%arg10 : memref<!tpu.dma_semaphore, #tpu.memory_space<semaphore_mem>>)
    %dma_start3A_463 = tpu.memref_slice %arg4[%add3A_376] : memref<12800000xf32, #tpu.memory_space<hbm>> -> memref<20000xf32, #tpu.memory_space<hbm>>
    %dma_start3A_464 = tpu.memref_slice %arg4[%add3A_376] : memref<12800000xf32, #tpu.memory_space<hbm>> -> memref<20000xf32, #tpu.memory_space<hbm>>
    tpu.enqueue_dma source(%arg5 : memref<20000xf32, #tpu.memory_space<vmem>>) target(%dma_start3A_464 : memref<20000xf32, #tpu.memory_space<hbm>>) target_semaphore(%arg10 : memref<!tpu.dma_semaphore, #tpu.memory_space<semaphore_mem>>)
    %dma_start3A_465 = tpu.memref_slice %arg4[%add3A_384] : memref<12800000xf32, #tpu.memory_space<hbm>> -> memref<20000xf32, #tpu.memory_space<hbm>>
    %dma_start3A_466 = tpu.memref_slice %arg4[%add3A_384] : memref<12800000xf32, #tpu.memory_space<hbm>> -> memref<20000xf32, #tpu.memory_space<hbm>>
    tpu.enqueue_dma source(%arg5 : memref<20000xf32, #tpu.memory_space<vmem>>) target(%dma_start3A_466 : memref<20000xf32, #tpu.memory_space<hbm>>) target_semaphore(%arg10 : memref<!tpu.dma_semaphore, #tpu.memory_space<semaphore_mem>>)
    %dma_start3A_467 = tpu.memref_slice %arg4[%add3A_392] : memref<12800000xf32, #tpu.memory_space<hbm>> -> memref<20000xf32, #tpu.memory_space<hbm>>
    %dma_start3A_468 = tpu.memref_slice %arg4[%add3A_392] : memref<12800000xf32, #tpu.memory_space<hbm>> -> memref<20000xf32, #tpu.memory_space<hbm>>
    tpu.enqueue_dma source(%arg5 : memref<20000xf32, #tpu.memory_space<vmem>>) target(%dma_start3A_468 : memref<20000xf32, #tpu.memory_space<hbm>>) target_semaphore(%arg10 : memref<!tpu.dma_semaphore, #tpu.memory_space<semaphore_mem>>)
    %dma_start3A_469 = tpu.memref_slice %arg4[%add3A_400] : memref<12800000xf32, #tpu.memory_space<hbm>> -> memref<20000xf32, #tpu.memory_space<hbm>>
    %dma_start3A_470 = tpu.memref_slice %arg4[%add3A_400] : memref<12800000xf32, #tpu.memory_space<hbm>> -> memref<20000xf32, #tpu.memory_space<hbm>>
    tpu.enqueue_dma source(%arg5 : memref<20000xf32, #tpu.memory_space<vmem>>) target(%dma_start3A_470 : memref<20000xf32, #tpu.memory_space<hbm>>) target_semaphore(%arg10 : memref<!tpu.dma_semaphore, #tpu.memory_space<semaphore_mem>>)
    %dma_start3A_471 = tpu.memref_slice %arg4[%add3A_408] : memref<12800000xf32, #tpu.memory_space<hbm>> -> memref<20000xf32, #tpu.memory_space<hbm>>
    %dma_start3A_472 = tpu.memref_slice %arg4[%add3A_408] : memref<12800000xf32, #tpu.memory_space<hbm>> -> memref<20000xf32, #tpu.memory_space<hbm>>
    tpu.enqueue_dma source(%arg5 : memref<20000xf32, #tpu.memory_space<vmem>>) target(%dma_start3A_472 : memref<20000xf32, #tpu.memory_space<hbm>>) target_semaphore(%arg10 : memref<!tpu.dma_semaphore, #tpu.memory_space<semaphore_mem>>)
    %dma_start3A_473 = tpu.memref_slice %arg4[%add3A_416] : memref<12800000xf32, #tpu.memory_space<hbm>> -> memref<20000xf32, #tpu.memory_space<hbm>>
    %dma_start3A_474 = tpu.memref_slice %arg4[%add3A_416] : memref<12800000xf32, #tpu.memory_space<hbm>> -> memref<20000xf32, #tpu.memory_space<hbm>>
    tpu.enqueue_dma source(%arg5 : memref<20000xf32, #tpu.memory_space<vmem>>) target(%dma_start3A_474 : memref<20000xf32, #tpu.memory_space<hbm>>) target_semaphore(%arg10 : memref<!tpu.dma_semaphore, #tpu.memory_space<semaphore_mem>>)
    %dma_start3A_475 = tpu.memref_slice %arg4[%add3A_424] : memref<12800000xf32, #tpu.memory_space<hbm>> -> memref<20000xf32, #tpu.memory_space<hbm>>
    %dma_start3A_476 = tpu.memref_slice %arg4[%add3A_424] : memref<12800000xf32, #tpu.memory_space<hbm>> -> memref<20000xf32, #tpu.memory_space<hbm>>
    tpu.enqueue_dma source(%arg5 : memref<20000xf32, #tpu.memory_space<vmem>>) target(%dma_start3A_476 : memref<20000xf32, #tpu.memory_space<hbm>>) target_semaphore(%arg10 : memref<!tpu.dma_semaphore, #tpu.memory_space<semaphore_mem>>)
    %dma_start3A_477 = tpu.memref_slice %arg4[%add3A_432] : memref<12800000xf32, #tpu.memory_space<hbm>> -> memref<20000xf32, #tpu.memory_space<hbm>>
    %dma_start3A_478 = tpu.memref_slice %arg4[%add3A_432] : memref<12800000xf32, #tpu.memory_space<hbm>> -> memref<20000xf32, #tpu.memory_space<hbm>>
    tpu.enqueue_dma source(%arg5 : memref<20000xf32, #tpu.memory_space<vmem>>) target(%dma_start3A_478 : memref<20000xf32, #tpu.memory_space<hbm>>) target_semaphore(%arg10 : memref<!tpu.dma_semaphore, #tpu.memory_space<semaphore_mem>>)
    %dma_start3A_479 = tpu.memref_slice %arg4[%add3A_440] : memref<12800000xf32, #tpu.memory_space<hbm>> -> memref<20000xf32, #tpu.memory_space<hbm>>
    %dma_start3A_480 = tpu.memref_slice %arg4[%add3A_440] : memref<12800000xf32, #tpu.memory_space<hbm>> -> memref<20000xf32, #tpu.memory_space<hbm>>
    tpu.enqueue_dma source(%arg5 : memref<20000xf32, #tpu.memory_space<vmem>>) target(%dma_start3A_480 : memref<20000xf32, #tpu.memory_space<hbm>>) target_semaphore(%arg10 : memref<!tpu.dma_semaphore, #tpu.memory_space<semaphore_mem>>)
    %dma_wait3A = arith.constant 0 : i32
    %dma_wait3A_481 = tpu.memref_slice %arg2[%dma_wait3A] : memref<12800000xf32, #tpu.memory_space<hbm>> -> memref<12800000xf32, #tpu.memory_space<hbm>>
    tpu.wait_indirect_dma semaphore(%arg9 : memref<!tpu.dma_semaphore, #tpu.memory_space<semaphore_mem>>) src(%dma_wait3A_481 : memref<12800000xf32, #tpu.memory_space<hbm>>) dst(%arg8 : memref<448xf32, #tpu.memory_space<vmem>>)
    %dma_wait3A_482 = tpu.memref_slice %arg4[%add3A_288] : memref<12800000xf32, #tpu.memory_space<hbm>> -> memref<20000xf32, #tpu.memory_space<hbm>>
    %dma_wait3A_483 = tpu.memref_slice %arg4[%add3A_288] : memref<12800000xf32, #tpu.memory_space<hbm>> -> memref<20000xf32, #tpu.memory_space<hbm>>
    tpu.wait_dma2 semaphore(%arg10 : memref<!tpu.dma_semaphore, #tpu.memory_space<semaphore_mem>>) src(%arg5 : memref<20000xf32, #tpu.memory_space<vmem>>) dst(%dma_wait3A_483 : memref<20000xf32, #tpu.memory_space<hbm>>)
    %dma_wait3A_484 = tpu.memref_slice %arg4[%add3A_296] : memref<12800000xf32, #tpu.memory_space<hbm>> -> memref<20000xf32, #tpu.memory_space<hbm>>
    %dma_wait3A_485 = tpu.memref_slice %arg4[%add3A_296] : memref<12800000xf32, #tpu.memory_space<hbm>> -> memref<20000xf32, #tpu.memory_space<hbm>>
    tpu.wait_dma2 semaphore(%arg10 : memref<!tpu.dma_semaphore, #tpu.memory_space<semaphore_mem>>) src(%arg5 : memref<20000xf32, #tpu.memory_space<vmem>>) dst(%dma_wait3A_485 : memref<20000xf32, #tpu.memory_space<hbm>>)
    %dma_wait3A_486 = tpu.memref_slice %arg4[%add3A_304] : memref<12800000xf32, #tpu.memory_space<hbm>> -> memref<20000xf32, #tpu.memory_space<hbm>>
    %dma_wait3A_487 = tpu.memref_slice %arg4[%add3A_304] : memref<12800000xf32, #tpu.memory_space<hbm>> -> memref<20000xf32, #tpu.memory_space<hbm>>
    tpu.wait_dma2 semaphore(%arg10 : memref<!tpu.dma_semaphore, #tpu.memory_space<semaphore_mem>>) src(%arg5 : memref<20000xf32, #tpu.memory_space<vmem>>) dst(%dma_wait3A_487 : memref<20000xf32, #tpu.memory_space<hbm>>)
    %dma_wait3A_488 = tpu.memref_slice %arg4[%add3A_312] : memref<12800000xf32, #tpu.memory_space<hbm>> -> memref<20000xf32, #tpu.memory_space<hbm>>
    %dma_wait3A_489 = tpu.memref_slice %arg4[%add3A_312] : memref<12800000xf32, #tpu.memory_space<hbm>> -> memref<20000xf32, #tpu.memory_space<hbm>>
    tpu.wait_dma2 semaphore(%arg10 : memref<!tpu.dma_semaphore, #tpu.memory_space<semaphore_mem>>) src(%arg5 : memref<20000xf32, #tpu.memory_space<vmem>>) dst(%dma_wait3A_489 : memref<20000xf32, #tpu.memory_space<hbm>>)
    %dma_wait3A_490 = tpu.memref_slice %arg4[%add3A_320] : memref<12800000xf32, #tpu.memory_space<hbm>> -> memref<20000xf32, #tpu.memory_space<hbm>>
    %dma_wait3A_491 = tpu.memref_slice %arg4[%add3A_320] : memref<12800000xf32, #tpu.memory_space<hbm>> -> memref<20000xf32, #tpu.memory_space<hbm>>
    tpu.wait_dma2 semaphore(%arg10 : memref<!tpu.dma_semaphore, #tpu.memory_space<semaphore_mem>>) src(%arg5 : memref<20000xf32, #tpu.memory_space<vmem>>) dst(%dma_wait3A_491 : memref<20000xf32, #tpu.memory_space<hbm>>)
    %dma_wait3A_492 = tpu.memref_slice %arg4[%add3A_328] : memref<12800000xf32, #tpu.memory_space<hbm>> -> memref<20000xf32, #tpu.memory_space<hbm>>
    %dma_wait3A_493 = tpu.memref_slice %arg4[%add3A_328] : memref<12800000xf32, #tpu.memory_space<hbm>> -> memref<20000xf32, #tpu.memory_space<hbm>>
    tpu.wait_dma2 semaphore(%arg10 : memref<!tpu.dma_semaphore, #tpu.memory_space<semaphore_mem>>) src(%arg5 : memref<20000xf32, #tpu.memory_space<vmem>>) dst(%dma_wait3A_493 : memref<20000xf32, #tpu.memory_space<hbm>>)
    %dma_wait3A_494 = tpu.memref_slice %arg4[%add3A_336] : memref<12800000xf32, #tpu.memory_space<hbm>> -> memref<20000xf32, #tpu.memory_space<hbm>>
    %dma_wait3A_495 = tpu.memref_slice %arg4[%add3A_336] : memref<12800000xf32, #tpu.memory_space<hbm>> -> memref<20000xf32, #tpu.memory_space<hbm>>
    tpu.wait_dma2 semaphore(%arg10 : memref<!tpu.dma_semaphore, #tpu.memory_space<semaphore_mem>>) src(%arg5 : memref<20000xf32, #tpu.memory_space<vmem>>) dst(%dma_wait3A_495 : memref<20000xf32, #tpu.memory_space<hbm>>)
    %dma_wait3A_496 = tpu.memref_slice %arg4[%add3A_344] : memref<12800000xf32, #tpu.memory_space<hbm>> -> memref<20000xf32, #tpu.memory_space<hbm>>
    %dma_wait3A_497 = tpu.memref_slice %arg4[%add3A_344] : memref<12800000xf32, #tpu.memory_space<hbm>> -> memref<20000xf32, #tpu.memory_space<hbm>>
    tpu.wait_dma2 semaphore(%arg10 : memref<!tpu.dma_semaphore, #tpu.memory_space<semaphore_mem>>) src(%arg5 : memref<20000xf32, #tpu.memory_space<vmem>>) dst(%dma_wait3A_497 : memref<20000xf32, #tpu.memory_space<hbm>>)
    %dma_wait3A_498 = tpu.memref_slice %arg4[%add3A_352] : memref<12800000xf32, #tpu.memory_space<hbm>> -> memref<20000xf32, #tpu.memory_space<hbm>>
    %dma_wait3A_499 = tpu.memref_slice %arg4[%add3A_352] : memref<12800000xf32, #tpu.memory_space<hbm>> -> memref<20000xf32, #tpu.memory_space<hbm>>
    tpu.wait_dma2 semaphore(%arg10 : memref<!tpu.dma_semaphore, #tpu.memory_space<semaphore_mem>>) src(%arg5 : memref<20000xf32, #tpu.memory_space<vmem>>) dst(%dma_wait3A_499 : memref<20000xf32, #tpu.memory_space<hbm>>)
    %dma_wait3A_500 = tpu.memref_slice %arg4[%add3A_360] : memref<12800000xf32, #tpu.memory_space<hbm>> -> memref<20000xf32, #tpu.memory_space<hbm>>
    %dma_wait3A_501 = tpu.memref_slice %arg4[%add3A_360] : memref<12800000xf32, #tpu.memory_space<hbm>> -> memref<20000xf32, #tpu.memory_space<hbm>>
    tpu.wait_dma2 semaphore(%arg10 : memref<!tpu.dma_semaphore, #tpu.memory_space<semaphore_mem>>) src(%arg5 : memref<20000xf32, #tpu.memory_space<vmem>>) dst(%dma_wait3A_501 : memref<20000xf32, #tpu.memory_space<hbm>>)
    %dma_wait3A_502 = tpu.memref_slice %arg4[%add3A_368] : memref<12800000xf32, #tpu.memory_space<hbm>> -> memref<20000xf32, #tpu.memory_space<hbm>>
    %dma_wait3A_503 = tpu.memref_slice %arg4[%add3A_368] : memref<12800000xf32, #tpu.memory_space<hbm>> -> memref<20000xf32, #tpu.memory_space<hbm>>
    tpu.wait_dma2 semaphore(%arg10 : memref<!tpu.dma_semaphore, #tpu.memory_space<semaphore_mem>>) src(%arg5 : memref<20000xf32, #tpu.memory_space<vmem>>) dst(%dma_wait3A_503 : memref<20000xf32, #tpu.memory_space<hbm>>)
    %dma_wait3A_504 = tpu.memref_slice %arg4[%add3A_376] : memref<12800000xf32, #tpu.memory_space<hbm>> -> memref<20000xf32, #tpu.memory_space<hbm>>
    %dma_wait3A_505 = tpu.memref_slice %arg4[%add3A_376] : memref<12800000xf32, #tpu.memory_space<hbm>> -> memref<20000xf32, #tpu.memory_space<hbm>>
    tpu.wait_dma2 semaphore(%arg10 : memref<!tpu.dma_semaphore, #tpu.memory_space<semaphore_mem>>) src(%arg5 : memref<20000xf32, #tpu.memory_space<vmem>>) dst(%dma_wait3A_505 : memref<20000xf32, #tpu.memory_space<hbm>>)
    %dma_wait3A_506 = tpu.memref_slice %arg4[%add3A_384] : memref<12800000xf32, #tpu.memory_space<hbm>> -> memref<20000xf32, #tpu.memory_space<hbm>>
    %dma_wait3A_507 = tpu.memref_slice %arg4[%add3A_384] : memref<12800000xf32, #tpu.memory_space<hbm>> -> memref<20000xf32, #tpu.memory_space<hbm>>
    tpu.wait_dma2 semaphore(%arg10 : memref<!tpu.dma_semaphore, #tpu.memory_space<semaphore_mem>>) src(%arg5 : memref<20000xf32, #tpu.memory_space<vmem>>) dst(%dma_wait3A_507 : memref<20000xf32, #tpu.memory_space<hbm>>)
    %dma_wait3A_508 = tpu.memref_slice %arg4[%add3A_392] : memref<12800000xf32, #tpu.memory_space<hbm>> -> memref<20000xf32, #tpu.memory_space<hbm>>
    %dma_wait3A_509 = tpu.memref_slice %arg4[%add3A_392] : memref<12800000xf32, #tpu.memory_space<hbm>> -> memref<20000xf32, #tpu.memory_space<hbm>>
    tpu.wait_dma2 semaphore(%arg10 : memref<!tpu.dma_semaphore, #tpu.memory_space<semaphore_mem>>) src(%arg5 : memref<20000xf32, #tpu.memory_space<vmem>>) dst(%dma_wait3A_509 : memref<20000xf32, #tpu.memory_space<hbm>>)
    %dma_wait3A_510 = tpu.memref_slice %arg4[%add3A_400] : memref<12800000xf32, #tpu.memory_space<hbm>> -> memref<20000xf32, #tpu.memory_space<hbm>>
    %dma_wait3A_511 = tpu.memref_slice %arg4[%add3A_400] : memref<12800000xf32, #tpu.memory_space<hbm>> -> memref<20000xf32, #tpu.memory_space<hbm>>
    tpu.wait_dma2 semaphore(%arg10 : memref<!tpu.dma_semaphore, #tpu.memory_space<semaphore_mem>>) src(%arg5 : memref<20000xf32, #tpu.memory_space<vmem>>) dst(%dma_wait3A_511 : memref<20000xf32, #tpu.memory_space<hbm>>)
    %dma_wait3A_512 = tpu.memref_slice %arg4[%add3A_408] : memref<12800000xf32, #tpu.memory_space<hbm>> -> memref<20000xf32, #tpu.memory_space<hbm>>
    %dma_wait3A_513 = tpu.memref_slice %arg4[%add3A_408] : memref<12800000xf32, #tpu.memory_space<hbm>> -> memref<20000xf32, #tpu.memory_space<hbm>>
    tpu.wait_dma2 semaphore(%arg10 : memref<!tpu.dma_semaphore, #tpu.memory_space<semaphore_mem>>) src(%arg5 : memref<20000xf32, #tpu.memory_space<vmem>>) dst(%dma_wait3A_513 : memref<20000xf32, #tpu.memory_space<hbm>>)
    %dma_wait3A_514 = tpu.memref_slice %arg4[%add3A_416] : memref<12800000xf32, #tpu.memory_space<hbm>> -> memref<20000xf32, #tpu.memory_space<hbm>>
    %dma_wait3A_515 = tpu.memref_slice %arg4[%add3A_416] : memref<12800000xf32, #tpu.memory_space<hbm>> -> memref<20000xf32, #tpu.memory_space<hbm>>
    tpu.wait_dma2 semaphore(%arg10 : memref<!tpu.dma_semaphore, #tpu.memory_space<semaphore_mem>>) src(%arg5 : memref<20000xf32, #tpu.memory_space<vmem>>) dst(%dma_wait3A_515 : memref<20000xf32, #tpu.memory_space<hbm>>)
    %dma_wait3A_516 = tpu.memref_slice %arg4[%add3A_424] : memref<12800000xf32, #tpu.memory_space<hbm>> -> memref<20000xf32, #tpu.memory_space<hbm>>
    %dma_wait3A_517 = tpu.memref_slice %arg4[%add3A_424] : memref<12800000xf32, #tpu.memory_space<hbm>> -> memref<20000xf32, #tpu.memory_space<hbm>>
    tpu.wait_dma2 semaphore(%arg10 : memref<!tpu.dma_semaphore, #tpu.memory_space<semaphore_mem>>) src(%arg5 : memref<20000xf32, #tpu.memory_space<vmem>>) dst(%dma_wait3A_517 : memref<20000xf32, #tpu.memory_space<hbm>>)
    %dma_wait3A_518 = tpu.memref_slice %arg4[%add3A_432] : memref<12800000xf32, #tpu.memory_space<hbm>> -> memref<20000xf32, #tpu.memory_space<hbm>>
    %dma_wait3A_519 = tpu.memref_slice %arg4[%add3A_432] : memref<12800000xf32, #tpu.memory_space<hbm>> -> memref<20000xf32, #tpu.memory_space<hbm>>
    tpu.wait_dma2 semaphore(%arg10 : memref<!tpu.dma_semaphore, #tpu.memory_space<semaphore_mem>>) src(%arg5 : memref<20000xf32, #tpu.memory_space<vmem>>) dst(%dma_wait3A_519 : memref<20000xf32, #tpu.memory_space<hbm>>)
    %dma_wait3A_520 = tpu.memref_slice %arg4[%add3A_440] : memref<12800000xf32, #tpu.memory_space<hbm>> -> memref<20000xf32, #tpu.memory_space<hbm>>
    %dma_wait3A_521 = tpu.memref_slice %arg4[%add3A_440] : memref<12800000xf32, #tpu.memory_space<hbm>> -> memref<20000xf32, #tpu.memory_space<hbm>>
    tpu.wait_dma2 semaphore(%arg10 : memref<!tpu.dma_semaphore, #tpu.memory_space<semaphore_mem>>) src(%arg5 : memref<20000xf32, #tpu.memory_space<vmem>>) dst(%dma_wait3A_521 : memref<20000xf32, #tpu.memory_space<hbm>>)
    %dma_start3A_522 = arith.constant 0 : i32
    %dma_start3A_523 = tpu.memref_slice %arg4[%dma_start3A_522] : memref<12800000xf32, #tpu.memory_space<hbm>> -> memref<12800000xf32, #tpu.memory_space<hbm>>
    tpu.enqueue_indirect_dma source(%arg8 : memref<448xf32, #tpu.memory_space<vmem>>) target(%dma_start3A_523 : memref<12800000xf32, #tpu.memory_space<hbm>>) offsets(%arg7 : memref<448xi32, #tpu.memory_space<vmem>>) semaphore(%arg9 : memref<!tpu.dma_semaphore, #tpu.memory_space<semaphore_mem>>)
    %dma_wait3A_524 = arith.constant 0 : i32
    %dma_wait3A_525 = tpu.memref_slice %arg4[%dma_wait3A_524] : memref<12800000xf32, #tpu.memory_space<hbm>> -> memref<12800000xf32, #tpu.memory_space<hbm>>
    tpu.wait_indirect_dma semaphore(%arg9 : memref<!tpu.dma_semaphore, #tpu.memory_space<semaphore_mem>>) src(%arg8 : memref<448xf32, #tpu.memory_space<vmem>>) dst(%dma_wait3A_525 : memref<12800000xf32, #tpu.memory_space<hbm>>)
    return
  }
}

</mosaic_0001>

<sc_bundles>
// kernel: kernel.3.cloned.1.call-start
scs
__scs_entry_jumppad:
0x0: {  	(pc) =	sbr.rel $0x88, $3  }
0x1: {  	(tag) =	ssettag $0x0;
	lr =	simm.s32 $0x1  }
0x2: {  	[smem:$0x3F9F] =	sst lr;
	_ =	strace $0xD0000000  }
0x3: {  	_ = 	snop  }
0x4: {  	_ = 	snop  }
0x5: {  	_ = 	snop  }
0x6: {  	_ = 	snop  }
0x7: {  	_ = 	snop  }
__scs_overlays_trampoline_lowered:
0x8: {  	[smem:$0x3FAE] =	sst s0  }
0x9: {  	[smem:$0x3FAF] =	sst s1  }
0xa: {  	[smem:$0x3FB0] =	sst s2  }
0xb: {  	[smem:$0x3FB1] =	sst s3  }
0xc: {  	[smem:$0x3FB2] =	sst s4  }
0xd: {  	[smem:$0x3FB3] =	sst s5  }
0xe: {  	[smem:$0x3FB4] =	sst s6  }
0xf: {  	[smem:$0x3FB5] =	sst s7  }
0x10: {  	[smem:$0x3FB6] =	sst s8  }
0x11: {  	[smem:$0x3FB7] =	sst s9;
	s0 =	simm.s32 @!p0 $0x0  }
0x12: {  	s1 =	sld [smem:$0x3F9D];
	s0 =	simm.s32 @p0 $0x1  }
0x13: {  	[smem:$0x3FB8] =	sst s0;
	s0 =	simm.s32 @!p1 $0x0  }
0x14: {  	s2 =	sld [smem:$0x3F9C];
	s0 =	simm.s32 @p1 $0x1  }
0x15: {  	[smem:$0x3FB9] =	sst s0;
	s0 =	simm.s32 @!p2 $0x0  }
0x16: {  	s3 =	sld [smem:$0x3FDB];
	s0 =	simm.s32 @p2 $0x1  }
0x17: {  	s4 =	simm.s32 $0x1BF5;
	[smem:$0x3FBB] =	sst s0  }
0x18: {  	s0 =	sld [smem:$0x3F9E];
	_ =	swait.ge [sflag:s4], $0x0  }
0x19: {  	s7 =	sld [smem:$0x3F9F]  }
0x1a: {  	s8 =	sadd.s32 $0xFFFFE003, lr  }
0x1b: {  	s9 =	sadd.s32 $0xFFFFFEF7, lr;
	s5 =	simm.s32 $0xFFFFFFFF;
	p2 =	slt.u32 s8, $0xFFFFF086  }
0x1c: {  	p1 =	slt.u32 s9, $0xF7A;
	s5 =	simm.s32 @!p2 $0x0  }
0x1d: {  	s5 =	simm.s32 @p1 $0x1;
	p0 =	seq.s32 s7, s2  }
0x1e: {  	s7 =	smul.u32 @!p0 $0xF7A, s2;
	p2 =	seq.s32 @!p0 s5, $0x0  }
0x1f: {  	s9 =	smul.u32 $0xF7A, s1;
	s8 =	simm.s32 @!p0 $0x1BF5;
	p2 =	por !p2, p0  }
0x20: {  	[sflag:s8] =	ssyncset.s32 @!p0 $0xFFFFF086;
	s6 =	sadd.s32 @!p0 s3, s7;
	s7 =	simm.s32 @!p0 $0x108  }
0x21: {  	s3 =	sadd.s32 s3, s9;
	s6 =	sadd.s32 @!p0 $0x88, s6;
	s7 =	simm.s32 @p2 $0x1082  }
0x22: {  	[simem:s7], [sflag:s8] =	dma.local @!p0 [hbm:s6], $0xF7A  }
0x23: {  	s9 =	sor.u32 $0xD0000000, s2;
	s6 =	simm.s32 $0x108;
	_ =	swait.ge @!p0 [sflag:s8], $0x0  }
0x24: {  	s3 =	sadd.s32 $0x88, s3;
	s6 =	simm.s32 @!p1 $0x1082;
	[sflag:s4] =	ssyncset.s32 $0xFFFFF086  }
0x25: {  	[simem:s6], [sflag:s4] =	dma.local [hbm:s3], $0xF7A  }
0x26: {  	[smem:$0x3F9F] =	sst s1;
	(tag) =	ssettag s2;
	_ =	strace s9  }
0x27: {  	s1 =	sld [smem:$0x3FAF]  }
0x28: {  	s2 =	sld [smem:$0x3FB0]  }
0x29: {  	s4 =	sld [smem:$0x3FB2]  }
0x2a: {  	p0 =	seq.s32 s5, $0x0;
	s5 =	sld [smem:$0x3FB3]  }
0x2b: {  	s6 =	sld [smem:$0x3FB4]  }
0x2c: {  	s7 =	sld [smem:$0x3FB5]  }
0x2d: {  	s3 =	simm.s32 $0x108;
	s8 =	sld [smem:$0x3FB6]  }
0x2e: {  	s3 =	simm.s32 @!p0 $0x1082;
	s9 =	sld [smem:$0x3FB7]  }
0x2f: {  	lr =	sadd.s32 s0, s3;
	s0 =	sld [smem:$0x3FAE]  }
0x30: {  	s3 =	sld [smem:$0x3FB1]  }
0x31: {  	[smem:$0x3FBA] =	sst s10  }
0x32: {  	s10 =	sld [smem:$0x3FB8];
	_ =	sdelay $0x3  }
0x33: {  	p0 =	seq.s32 s10, $0x1;
	s10 =	sld [smem:$0x3FBA];
	_ =	sdelay $0x3  }
0x34: {  	[smem:$0x3FBA] =	sst s10  }
0x35: {  	s10 =	sld [smem:$0x3FB9];
	_ =	sdelay $0x3  }
0x36: {  	p1 =	seq.s32 s10, $0x1;
	s10 =	sld [smem:$0x3FBA];
	_ =	sdelay $0x3  }
0x37: {  	[smem:$0x3FBA] =	sst s10  }
0x38: {  	s10 =	sld [smem:$0x3FBB]  }
0x39: {  	_ = 	snop;
	(pc) =	sbr.ind lr, $3  }
0x3a: {  	_ = 	snop  }
0x3b: {  	_ = 	snop  }
0x3c: {  	p2 =	seq.s32 s10, $0x1;
	s10 =	sld [smem:$0x3FBA]  }
0x3d: {  	_ =	shalt  }
0x3e: {  	_ =	shalt  }
0x3f: {  	_ =	shalt  }
0x40: {  	_ =	shalt  }
0x41: {  	_ =	shalt  }
0x42: {  	_ =	shalt  }
0x43: {  	_ =	shalt  }
0x44: {  	_ =	shalt  }
0x45: {  	_ =	shalt  }
0x46: {  	_ =	shalt  }
0x47: {  	_ =	shalt  }
0x48: {  	_ =	shalt  }
0x49: {  	_ =	shalt  }
0x4a: {  	_ =	shalt  }
0x4b: {  	_ =	shalt  }
0x4c: {  	_ =	shalt  }
0x4d: {  	_ =	shalt  }
0x4e: {  	_ =	shalt  }
0x4f: {  	_ =	shalt  }
0x50: {  	_ =	shalt  }
0x51: {  	_ =	shalt  }
0x52: {  	_ =	shalt  }
0x53: {  	_ =	shalt  }
0x54: {  	_ =	shalt  }
0x55: {  	_ =	shalt  }
0x56: {  	_ =	shalt  }
0x57: {  	_ =	shalt  }
0x58: {  	_ =	shalt  }
0x59: {  	_ =	shalt  }
0x5a: {  	_ =	shalt  }
0x5b: {  	_ =	shalt  }
0x5c: {  	_ =	shalt  }
0x5d: {  	_ =	shalt  }
0x5e: {  	_ =	shalt  }
0x5f: {  	_ =	shalt  }
0x60: {  	_ =	shalt  }
0x61: {  	_ =	shalt  }
0x62: {  	_ =	shalt  }
0x63: {  	_ =	shalt  }
0x64: {  	_ =	shalt  }
0x65: {  	_ =	shalt  }
0x66: {  	_ =	shalt  }
0x67: {  	_ =	shalt  }
0x68: {  	_ =	shalt  }
0x69: {  	_ =	shalt  }
0x6a: {  	_ =	shalt  }
0x6b: {  	_ =	shalt  }
0x6c: {  	_ =	shalt  }
0x6d: {  	_ =	shalt  }
0x6e: {  	_ =	shalt  }
0x6f: {  	_ =	shalt  }
0x70: {  	_ =	shalt  }
0x71: {  	_ =	shalt  }
0x72: {  	_ =	shalt  }
0x73: {  	_ =	shalt  }
0x74: {  	_ =	shalt  }
0x75: {  	_ =	shalt  }
0x76: {  	_ =	shalt  }
0x77: {  	_ =	shalt  }
0x78: {  	_ =	shalt  }
0x79: {  	_ =	shalt  }
0x7a: {  	_ =	shalt  }
0x7b: {  	_ =	shalt  }
0x7c: {  	_ =	shalt  }
0x7d: {  	_ =	shalt  }
0x7e: {  	_ =	shalt  }
0x7f: {  	_ =	shalt  }
0x80: {  	_ =	shalt  }
0x81: {  	_ =	shalt  }
0x82: {  	_ =	shalt  }
0x83: {  	_ =	shalt  }
0x84: {  	_ =	shalt  }
0x85: {  	_ =	shalt  }
0x86: {  	_ =	shalt  }
0x87: {  	_ =	shalt  }
.Lfunc_end0:
.L_simem_size_0:
called_computation.1_lowered:
.L_overlay_start_0:
0x88: {  	s2 =	sld [smem:$0x3FD9]  }
0x89: {  	s3 =	sld [smem:$0x3FFE];
	_ =	sdelay $0x1  }
0x8a: {  	s1 =	srdreg.scid  }
0x8b: {  	s0 =	sand.u32 $0x1, s1  }
0x8c: {  	s17 =	sshll.u32 s0, $0xA;
	s2 =	sadd.s32 s3, s2  }
0x8d: {  	s2 =	sadd.s32 s2, s17  }
0x8e: {  	[smem:$0x3FC6] =	sst s2  }
0x8f: {  	_ = 	snop  }
0x90: {  	s2 =	sld [smem:$0x3FD0];
	(tm) =	ssettm $0x1  }
0x91: {  	s18 =	sld [smem:$0x3FFB];
	_ =	sdelay $0x3  }
0x92: {  	_ =	strace s18  }
0x93: {  	s3 =	sld [smem:$0x3FFC];
	_ =	sdelay $0x3  }
0x94: {  	_ =	strace s3  }
0x95: {  	s3 =	sld [smem:$0x3FFD];
	_ =	sdelay $0x3  }
0x96: {  	_ =	strace s3  }
0x97: {  	_ =	strace $0x8FFFFFFF  }
0x98: {  	s19 =	sld [smem:$0x3FDB];
	_ =	sdelay $0x1  }
0x99: {  	s4 =	simm.s32 $_scs_section_size  }
0x9a: {  	s5 =	simm.s32 $_size__tile_overlayer_lowered;
	s6 =	simm.s32 $_tile_overlayer_lowered  }
0x9b: {  	s22 =	simm.s32 $0x1BFF;
	s21 =	sshll.u32 s6, $0x1;
	s3 =	sadd.s32 s4, s19  }
0x9c: {  	s7 =	simm.s32 $0x0;
	s20 =	sshll.u32 s5, $0x1;
	s5 =	sadd.s32 s21, s3  }
0x9d: {  	[timem:s7], [sflag:s22] =	dma.local [hbm:s5], s20  }
0x9e: {  	_ =	swait.ge [sflag:s22], s20  }
0x9f: {  	s4 =	ssub.s32 $0x0, s20;
	[sflag:s22] =	ssyncset.done $0x0  }
0xa0: {  	[sflag:s22] =	ssyncadd.s32 s4;
	_ =	sdelay $0x1  }
0xa1: {  	s23 =	simm.s32 $0x1B8B  }
0xa2: {  	_ =	swait.ge [sflag:s23], $0x1  }
0xa3: {  	[sflag:s23] =	ssyncset.done $0x0  }
0xa4: {  	s25 =	simm.s32 $0x1B8E;
	s24 =	sld [smem:$0x3FFE];
	[sflag:s23] =	ssyncadd.s32 $0xFFFFFFFF  }
0xa5: {  	s26 =	simm.s32 $execute0_lowered;
	[smem:$0x3FD2] =	sst s25  }
0xa6: {  	s5 =	sshll.u32 s26, $0x1;
	_ =	strace $0x80000046;
	[dreg:$0x1] =	wrdreg $0xFFFFFFFF  }
0xa7: {  	s28 =	simm.s32 $_size_execute0_lowered;
	s3 =	sadd.s32 s3, s5;
	[dreg:$0x0] =	wrdreg $0x0  }
0xa8: {  	s5 =	sshll.u32 s28, $0x1;
	[dreg:$0x2] =	wrdreg s3  }
0xa9: {  	[dreg:$0x3] =	wrdreg s5  }
0xaa: {  	[dreg:$0x4] =	wrdreg $0xC0  }
0xab: {  	_ =	task [dreg:s7], $0x5FFFF  }
0xac: {  	[dreg:$0x1] =	wrdreg $0xFFFFFFFF  }
0xad: {  	[dreg:$0x0] =	wrdreg $0x60  }
0xae: {  	[dreg:$0x2] =	wrdreg s2  }
0xaf: {  	[dreg:$0x3] =	wrdreg s24  }
0xb0: {  	[dreg:$0x4] =	wrdreg $0x9  }
0xb1: {  	_ =	task.clear_ibuf [dreg:s7], $0x5FFFF;
	_ =	strace $0x90000046  }
0xb2: {  	s29 =	simm.s32 $0x9;
	_ =	strace $0x80000048  }
0xb3: {  	_ =	swait.ge [sflag:s29], $0x1  }
0xb4: {  	[sflag:s29] =	ssyncadd.s32 $0xFFFFFFFF  }
0xb5: {  	_ =	strace $0x90000048  }
0xb6: {  	_ =	sfence  }
0xb7: {  	s30 =	sld [smem:$0x0];
	_ =	sdelay $0x2  }
0xb8: {  	s31 =	sshll.u32 s1, $0xD;
	s1 =	sshrl.u32 s1, $0x2  }
0xb9: {  	s3 =	sand.u32 $0x4000, s31;
	s1 =	sadd.s32 s1, s30  }
0xba: {  	s0 =	sor.u32 s3, s0;
	s1 =	sshll.u32 s1, $0x11  }
0xbb: {  	s0 =	sor.u32 s1, s0  }
0xbc: {  	s0 =	sadd.s32 $0x8F2B, s0  }
0xbd: {  	[sflag:s0] =	ssyncadd.remote.s32 $0x1  }
0xbe: {  	_ =	sfence.sel $0xFFFF  }
0xbf: {  	[dreg:$0x0] =	wrdreg $0xFFFFFFFF;
	(pc) =	sbr.abs _section_cstart, $3  }
0xc0: {  	[dreg:$0x1] =	wrdreg $0xFFFFFFFF  }
0xc1: {  	_ =	task.clear_ibuf [dreg:s7], $0x2FFFF;
	_ =	strace $0x9FFFFFFF  }
0xc2: {  	(tm) =	ssettm $0x7FFFFFFF  }
0xc3: {  	_ =	shalt  }
tec
execute0_lowered:
.L_overlay_start_1:
0x0: {  	(tag) =	ssettag $0x1  }
0x1: {  	s0 =	srdreg.scid  }
0x2: {  	s2 =	stileid.u32;
	s1 =	rddreg [dreg:$0x1];
	s3 =	simm.s32 $0x0  }
0x3: {  	s29 =	simm.s32 $0x3;
	s30 =	simm.s32 $0x1C0;
	s31 =	simm.s32 $0x4F00  }
0x4: {  	s28 =	simm.s32 $0x0;
	s0 =	sand.u32 $0x1, s0;
	s2 =	sshll.u32 s2, $0x1  }
0x5: {  	[smem:$0x7FF] =	sst s3;
	s4 =	sadd.s32 $0x800, s1;
	s2 =	sor.u32 s0, s2  }
0x6: {  	s5 =	sadd.s32 $0xA00, s1;
	s0 =	ssub.s32 $0x2, s0;
	s2 =	smul.u32 $0x61A80, s2  }
0x7: {  	_ =	strace $0x80000047;
	[dreg:$0x3] =	wrdreg s4;
	s25 =	sshrl.u32 s0, $0x1  }
0x8: {  	s0 =	ssub.s32 s0, s25;
	s26 =	sshrl.u32 s2, $0x3;
	s1 =	sadd.s32 $0x186A0, s2  }
0x9: {  	s4 =	sadd.s32 $0x30D40, s2;
	s7 =	sadd.s32 $0x493E0, s2;
	s21 =	smax.u32 s0, $0x1  }
0xa: {  	v0 =	vmov s2;
	s0 =	simm.s32 $0x1;
	s2 =	simm.s32 $0x2;
	s6 =	sadd.s32 s5, s26  }
0xb: {  	s11 =	sshrl.u32 s1, $0x3;
	s16 =	sshrl.u32 s4, $0x3;
	s20 =	sshrl.u32 s7, $0x3  }
0xc: {  	v1 =	vmov s1;
	s1 =	simm.s32 $0x5100;
	s8 =	sadd.s32 $0x9C4, s6;
	s9 =	sadd.s32 $0x1D4C, s6  }
0xd: {  	s10 =	sadd.s32 $0x2710, s6;
	s11 =	sadd.s32 s5, s11;
	s12 =	sadd.s32 $0x3A98, s6  }
0xe: {  	s13 =	sadd.s32 $0x445C, s6;
	s14 =	sadd.s32 $0x4E20, s6;
	s15 =	sadd.s32 $0x57E4, s6  }
0xf: {  	s16 =	sadd.s32 s5, s16;
	s17 =	sadd.s32 $0x6B6C, s6;
	s18 =	sadd.s32 $0x7530, s6  }
0x10: {  	s19 =	sadd.s32 $0x7EF4, s6;
	s20 =	sadd.s32 s5, s20;
	s22 =	sadd.s32 $0x88B8, s6  }
0x11: {  	s23 =	sadd.s32 $0x9C40, s6;
	s24 =	sadd.s32 $0xA604, s6;
	s25 =	sadd.s32 $0xAFC8, s6  }
0x12: {  	v4 =	vimm.f32 $-Inf;
	v2 =	vmov s4;
	v3 =	vmov s7;
	s26 =	sadd.s32 $0xB98C, s6;
	[dreg:$0x4] =	wrdreg s8;
	s8 =	sadd.s32 $0x1388, s6  }
.LBB2_1:
0x13: {  	s4 =	simm.s32 $0x40;
	s7 =	simm.s32 $0x0  }
.LBB2_2:
0x14: {  	p0 =	sne.s32 s4, $0x13840;
	[tilespmem:s7+$0x0] =	vst v4;
	s7 =	smov.u32 s4;
	s4 =	sadd.s32 $0x40, s4  }
.Ltmp0:
0x15: {  	(pc) =	sbr.rel @p0 .LBB2_2-.Ltmp0, $2  }
0x16: {  	_ =	sdelay $0x2  }
0x17: {  	s7 =	sshra.s32 s7, $0x2  }
0x18: {  	[tilespmem:s7+$0x0] =	vst v4;
	s4 =	rddreg [dreg:$0x3];
	s7 =	simm.s32 $0x4E80  }
0x19: {  	[tilespmem:s7], [sflag:$0x3] =	stream.linear.gather [hbm4b:s4+s3], $0x80, $0x38;
	[tilespmem:$0x5300] =	vst v63  }
0x1a: {  	_ =	swait.ge [sflag:s29], $0x80  }
0x1b: {  	[sflag:s29] =	ssyncset.done $0x0  }
0x1c: {  	[sflag:s29] =	ssyncadd.s32 $0xFFFFFF80  }
0x1d: {  	v5 =	vld [tilespmem:$0x4E80]  }
0x1e: {  	v6 =	vld [tilespmem:$0x4E90]  }
0x1f: {  	v7 =	vld [tilespmem:$0x4EA0]  }
0x20: {  	v8 =	vld [tilespmem:$0x4EB0]  }
0x21: {  	v9 =	vld [tilespmem:$0x4EC0]  }
0x22: {  	v10 =	vld [tilespmem:$0x4ED0];
	v5 =	vadd.s32 v0, v5  }
0x23: {  	[tilespmem:$0x4F00] =	vst v5;
	v5 =	vadd.s32 v0, v6;
	v6 =	vld [tilespmem:$0x4EE0]  }
0x24: {  	[tilespmem:$0x4F10] =	vst v5;
	v5 =	vadd.s32 v0, v7;
	v7 =	vld [tilespmem:$0x4E80]  }
0x25: {  	v52 =	vld [tilespmem:$0x4E90];
	[tilespmem:$0x4F20] =	vst v5;
	v5 =	vadd.s32 v0, v8  }
0x26: {  	v53 =	vld [tilespmem:$0x4EA0];
	[tilespmem:$0x4F30] =	vst v5;
	v5 =	vadd.s32 v0, v9  }
0x27: {  	v54 =	vld [tilespmem:$0x4EB0];
	[tilespmem:$0x4F40] =	vst v5;
	v5 =	vadd.s32 v0, v10  }
0x28: {  	[tilespmem:$0x4F50] =	vst v5;
	v5 =	vadd.s32 v0, v6;
	v6 =	vld [tilespmem:$0x4EC0]  }
0x29: {  	[tilespmem:$0x4F60] =	vst v5;
	v5 =	vadd.s32 v1, v7;
	v7 =	vld [tilespmem:$0x4ED0]  }
0x2a: {  	v55 =	vld [tilespmem:$0x4EE0];
	[tilespmem:$0x4F70] =	vst v5;
	v5 =	vadd.s32 v1, v52  }
0x2b: {  	v56 =	vld [tilespmem:$0x4E80];
	[tilespmem:$0x4F80] =	vst v5;
	v5 =	vadd.s32 v1, v53  }
0x2c: {  	v57 =	vld [tilespmem:$0x4E90];
	[tilespmem:$0x4F90] =	vst v5;
	v5 =	vadd.s32 v1, v54  }
0x2d: {  	[tilespmem:$0x4FA0] =	vst v5;
	v5 =	vadd.s32 v1, v6;
	v6 =	vld [tilespmem:$0x4EA0]  }
0x2e: {  	[tilespmem:$0x4FB0] =	vst v5;
	v5 =	vadd.s32 v1, v7;
	v7 =	vld [tilespmem:$0x4EB0]  }
0x2f: {  	v58 =	vld [tilespmem:$0x4EC0];
	[tilespmem:$0x4FC0] =	vst v5;
	v5 =	vadd.s32 v1, v55  }
0x30: {  	v59 =	vld [tilespmem:$0x4ED0];
	[tilespmem:$0x4FD0] =	vst v5;
	v5 =	vadd.s32 v2, v56  }
0x31: {  	v60 =	vld [tilespmem:$0x4EE0];
	[tilespmem:$0x4FE0] =	vst v5;
	v5 =	vadd.s32 v2, v57  }
0x32: {  	[tilespmem:$0x4FF0] =	vst v5;
	v5 =	vadd.s32 v2, v6;
	v6 =	vld [tilespmem:$0x4E80]  }
0x33: {  	[tilespmem:$0x5000] =	vst v5;
	v5 =	vadd.s32 v2, v7;
	v7 =	vld [tilespmem:$0x4E90]  }
0x34: {  	v61 =	vld [tilespmem:$0x4EA0];
	[tilespmem:$0x5010] =	vst v5;
	v5 =	vadd.s32 v2, v58  }
0x35: {  	v62 =	vld [tilespmem:$0x4EB0];
	[tilespmem:$0x5020] =	vst v5;
	v5 =	vadd.s32 v2, v59  }
0x36: {  	v63 =	vld [tilespmem:$0x4EC0];
	[tilespmem:$0x5030] =	vst v5;
	v5 =	vadd.s32 v2, v60  }
0x37: {  	[tilespmem:$0x5040] =	vst v5;
	v5 =	vadd.s32 v3, v6;
	v6 =	vld [tilespmem:$0x4ED0]  }
0x38: {  	[tilespmem:$0x5050] =	vst v5;
	v5 =	vadd.s32 v3, v7;
	v7 =	vld [tilespmem:$0x4EE0]  }
0x39: {  	[tilespmem:$0x5060] =	vst v5;
	v5 =	vadd.s32 v3, v61  }
0x3a: {  	[tilespmem:$0x5070] =	vst v5;
	v5 =	vadd.s32 v3, v62  }
0x3b: {  	[tilespmem:$0x5080] =	vst v5;
	v5 =	vadd.s32 v3, v63  }
0x3c: {  	[tilespmem:$0x5090] =	vst v5;
	v5 =	vadd.s32 v3, v6  }
0x3d: {  	[tilespmem:$0x50A0] =	vst v5;
	v5 =	vadd.s32 v3, v7  }
0x3e: {  	s7 =	rddreg [dreg:$0x0];
	[tilespmem:$0x50B0] =	vst v5  }
0x3f: {  	[tilespmem:s1], [sflag:$0x1] =	stream.indirect.gather [hbm4b:s7+s30], $0x1, s31, s30, $0xb8;
	[tilespmem:$0x5300] =	vst v63  }
0x40: {  	_ = 	snop  }
0x41: {  	[hbm4b:s6+s3] =	stream.linear.scatter [tilespmem:s3], [sflag:$0x2], $0x4E20, $0x38;
	[tilespmem:$0x5300] =	vst v63  }
0x42: {  	s7 =	rddreg [dreg:$0x4]  }
0x43: {  	[hbm4b:s7+s3] =	stream.linear.scatter [tilespmem:s3], [sflag:$0x2], $0x4E20, $0x38;
	[tilespmem:$0x5300] =	vst v63  }
0x44: {  	_ = 	snop  }
0x45: {  	[hbm4b:s8+s3] =	stream.linear.scatter [tilespmem:s3], [sflag:$0x2], $0x4E20, $0x38;
	[tilespmem:$0x5300] =	vst v63  }
0x46: {  	_ = 	snop  }
0x47: {  	[hbm4b:s9+s3] =	stream.linear.scatter [tilespmem:s3], [sflag:$0x2], $0x4E20, $0x38;
	[tilespmem:$0x5300] =	vst v63  }
0x48: {  	_ = 	snop  }
0x49: {  	[hbm4b:s10+s3] =	stream.linear.scatter [tilespmem:s3], [sflag:$0x2], $0x4E20, $0x38;
	[tilespmem:$0x5300] =	vst v63  }
0x4a: {  	_ = 	snop  }
0x4b: {  	[hbm4b:s11+s3] =	stream.linear.scatter [tilespmem:s3], [sflag:$0x2], $0x4E20, $0x38;
	[tilespmem:$0x5300] =	vst v63  }
0x4c: {  	_ = 	snop  }
0x4d: {  	[hbm4b:s12+s3] =	stream.linear.scatter [tilespmem:s3], [sflag:$0x2], $0x4E20, $0x38;
	[tilespmem:$0x5300] =	vst v63  }
0x4e: {  	_ = 	snop  }
0x4f: {  	[hbm4b:s13+s3] =	stream.linear.scatter [tilespmem:s3], [sflag:$0x2], $0x4E20, $0x38;
	[tilespmem:$0x5300] =	vst v63  }
0x50: {  	_ = 	snop  }
0x51: {  	[hbm4b:s14+s3] =	stream.linear.scatter [tilespmem:s3], [sflag:$0x2], $0x4E20, $0x38;
	[tilespmem:$0x5300] =	vst v63  }
0x52: {  	_ = 	snop  }
0x53: {  	[hbm4b:s15+s3] =	stream.linear.scatter [tilespmem:s3], [sflag:$0x2], $0x4E20, $0x38;
	[tilespmem:$0x5300] =	vst v63  }
0x54: {  	_ = 	snop  }
0x55: {  	[hbm4b:s16+s3] =	stream.linear.scatter [tilespmem:s3], [sflag:$0x2], $0x4E20, $0x38;
	[tilespmem:$0x5300] =	vst v63  }
0x56: {  	_ = 	snop  }
0x57: {  	[hbm4b:s17+s3] =	stream.linear.scatter [tilespmem:s3], [sflag:$0x2], $0x4E20, $0x38;
	[tilespmem:$0x5300] =	vst v63  }
0x58: {  	_ = 	snop  }
0x59: {  	[hbm4b:s18+s3] =	stream.linear.scatter [tilespmem:s3], [sflag:$0x2], $0x4E20, $0x38;
	[tilespmem:$0x5300] =	vst v63  }
0x5a: {  	_ = 	snop  }
0x5b: {  	[hbm4b:s19+s3] =	stream.linear.scatter [tilespmem:s3], [sflag:$0x2], $0x4E20, $0x38;
	[tilespmem:$0x5300] =	vst v63  }
0x5c: {  	_ = 	snop  }
0x5d: {  	[hbm4b:s22+s3] =	stream.linear.scatter [tilespmem:s3], [sflag:$0x2], $0x4E20, $0x38;
	[tilespmem:$0x5300] =	vst v63  }
0x5e: {  	_ = 	snop  }
0x5f: {  	[hbm4b:s20+s3] =	stream.linear.scatter [tilespmem:s3], [sflag:$0x2], $0x4E20, $0x38;
	[tilespmem:$0x5300] =	vst v63  }
0x60: {  	_ = 	snop  }
0x61: {  	[hbm4b:s23+s3] =	stream.linear.scatter [tilespmem:s3], [sflag:$0x2], $0x4E20, $0x38;
	[tilespmem:$0x5300] =	vst v63  }
0x62: {  	_ = 	snop  }
0x63: {  	[hbm4b:s24+s3] =	stream.linear.scatter [tilespmem:s3], [sflag:$0x2], $0x4E20, $0x38;
	[tilespmem:$0x5300] =	vst v63  }
0x64: {  	_ = 	snop  }
0x65: {  	[hbm4b:s25+s3] =	stream.linear.scatter [tilespmem:s3], [sflag:$0x2], $0x4E20, $0x38;
	[tilespmem:$0x5300] =	vst v63  }
0x66: {  	_ = 	snop  }
0x67: {  	[hbm4b:s26+s3] =	stream.linear.scatter [tilespmem:s3], [sflag:$0x2], $0x4E20, $0x38;
	[tilespmem:$0x5300] =	vst v63  }
0x68: {  	_ =	swait.ge [sflag:s0], $0x1C0  }
0x69: {  	[sflag:s0] =	ssyncset.done $0x0  }
0x6a: {  	[sflag:s0] =	ssyncadd.s32 $0xFFFFFE40  }
0x6b: {  	_ =	swait.ge [sflag:s2], $0x4E20  }
0x6c: {  	[sflag:s2] =	ssyncset.done $0x0  }
0x6d: {  	[sflag:s2] =	ssyncadd.s32 $0xFFFFB1E0  }
0x6e: {  	_ =	swait.ge [sflag:s2], $0x4E20  }
0x6f: {  	[sflag:s2] =	ssyncset.done $0x0  }
0x70: {  	[sflag:s2] =	ssyncadd.s32 $0xFFFFB1E0  }
0x71: {  	_ =	swait.ge [sflag:s2], $0x4E20  }
0x72: {  	[sflag:s2] =	ssyncset.done $0x0  }
0x73: {  	[sflag:s2] =	ssyncadd.s32 $0xFFFFB1E0  }
0x74: {  	_ =	swait.ge [sflag:s2], $0x4E20  }
0x75: {  	[sflag:s2] =	ssyncset.done $0x0  }
0x76: {  	[sflag:s2] =	ssyncadd.s32 $0xFFFFB1E0  }
0x77: {  	_ =	swait.ge [sflag:s2], $0x4E20  }
0x78: {  	[sflag:s2] =	ssyncset.done $0x0  }
0x79: {  	[sflag:s2] =	ssyncadd.s32 $0xFFFFB1E0  }
0x7a: {  	_ =	swait.ge [sflag:s2], $0x4E20  }
0x7b: {  	[sflag:s2] =	ssyncset.done $0x0  }
0x7c: {  	[sflag:s2] =	ssyncadd.s32 $0xFFFFB1E0  }
0x7d: {  	_ =	swait.ge [sflag:s2], $0x4E20  }
0x7e: {  	[sflag:s2] =	ssyncset.done $0x0  }
0x7f: {  	[sflag:s2] =	ssyncadd.s32 $0xFFFFB1E0  }
0x80: {  	_ =	swait.ge [sflag:s2], $0x4E20  }
0x81: {  	[sflag:s2] =	ssyncset.done $0x0  }
0x82: {  	[sflag:s2] =	ssyncadd.s32 $0xFFFFB1E0  }
0x83: {  	_ =	swait.ge [sflag:s2], $0x4E20  }
0x84: {  	[sflag:s2] =	ssyncset.done $0x0  }
0x85: {  	[sflag:s2] =	ssyncadd.s32 $0xFFFFB1E0  }
0x86: {  	_ =	swait.ge [sflag:s2], $0x4E20  }
0x87: {  	[sflag:s2] =	ssyncset.done $0x0  }
0x88: {  	[sflag:s2] =	ssyncadd.s32 $0xFFFFB1E0  }
0x89: {  	_ =	swait.ge [sflag:s2], $0x4E20  }
0x8a: {  	[sflag:s2] =	ssyncset.done $0x0  }
0x8b: {  	[sflag:s2] =	ssyncadd.s32 $0xFFFFB1E0  }
0x8c: {  	_ =	swait.ge [sflag:s2], $0x4E20  }
0x8d: {  	[sflag:s2] =	ssyncset.done $0x0  }
0x8e: {  	[sflag:s2] =	ssyncadd.s32 $0xFFFFB1E0  }
0x8f: {  	_ =	swait.ge [sflag:s2], $0x4E20  }
0x90: {  	[sflag:s2] =	ssyncset.done $0x0  }
0x91: {  	[sflag:s2] =	ssyncadd.s32 $0xFFFFB1E0  }
0x92: {  	_ =	swait.ge [sflag:s2], $0x4E20  }
0x93: {  	[sflag:s2] =	ssyncset.done $0x0  }
0x94: {  	[sflag:s2] =	ssyncadd.s32 $0xFFFFB1E0  }
0x95: {  	_ =	swait.ge [sflag:s2], $0x4E20  }
0x96: {  	[sflag:s2] =	ssyncset.done $0x0  }
0x97: {  	[sflag:s2] =	ssyncadd.s32 $0xFFFFB1E0  }
0x98: {  	_ =	swait.ge [sflag:s2], $0x4E20  }
0x99: {  	[sflag:s2] =	ssyncset.done $0x0  }
0x9a: {  	[sflag:s2] =	ssyncadd.s32 $0xFFFFB1E0  }
0x9b: {  	_ =	swait.ge [sflag:s2], $0x4E20  }
0x9c: {  	[sflag:s2] =	ssyncset.done $0x0  }
0x9d: {  	[sflag:s2] =	ssyncadd.s32 $0xFFFFB1E0  }
0x9e: {  	_ =	swait.ge [sflag:s2], $0x4E20  }
0x9f: {  	[sflag:s2] =	ssyncset.done $0x0  }
0xa0: {  	[sflag:s2] =	ssyncadd.s32 $0xFFFFB1E0  }
0xa1: {  	_ =	swait.ge [sflag:s2], $0x4E20  }
0xa2: {  	[sflag:s2] =	ssyncset.done $0x0  }
0xa3: {  	[sflag:s2] =	ssyncadd.s32 $0xFFFFB1E0  }
0xa4: {  	s28 =	sadd.s32 $0x1, s28;
	_ =	swait.ge [sflag:s2], $0x4E20  }
0xa5: {  	p0 =	sne.s32 s28, s21;
	[sflag:s2] =	ssyncset.done $0x0  }
.Ltmp1:
0xa6: {  	[sflag:s2] =	ssyncadd.s32 $0xFFFFB1E0;
	(pc) =	sbr.rel @p0 .LBB2_1-.Ltmp1, $4  }
0xa7: {  	[hbm4b:s5+s30] =	stream.indirect.scatter [tilespmem:s1], [sflag:$0x1], $0x1, s31, s30, $0xb8;
	[tilespmem:$0x5300] =	vst v63  }
0xa8: {  	_ =	swait.ge [sflag:s0], $0x1C0  }
0xa9: {  	[sflag:s0] =	ssyncset.done $0x0  }
0xaa: {  	[sflag:s0] =	ssyncadd.s32 $0xFFFFFE40  }
0xab: {  	_ =	sfence.sel $0x180000  }
0xac: {  	[bflag:$0x0] =	sbarrier.arrive $0xFFFF  }
0xad: {  	_ =	strace $0x90000047  }
0xae: {  	s0 =	stileid.u32;
	[bflag:$0x2] =	sbarrier.arrive $0xFFFF  }
0xaf: {  	p0 =	sne.s32 s0, $0x0;
	s0 =	rddreg [dreg:$0x2]  }
0xb0: {  	s0 =	sadd.s32 @!p0 $0x100000, s0  }
0xb1: {  	[sflag:s0] =	ssyncadd.tile.s32 @!p0 $0x1;
	_ =	shalt  }
.Lfunc_end2:
_tile_overlayer_lowered:
.L_overlay_start_2:
0xb2: {  	(tag) =	ssettag $0x2  }
0xb3: {  	s0 =	rddreg [dreg:$0x0];
	s2 =	stileid.u32  }
0xb4: {  	s1 =	rddreg [dreg:$0x1];
	p0 =	sne.s32 s2, $0x0  }
0xb5: {  	s3 =	rddreg [dreg:$0x2];
	[bflag:$0x3] =	sbarrier.arrive $0xFFFF;
	s2 =	simm.s32 @!p0 $0x1C03  }
0xb6: {  	[timem:s3], [sflag:s2] =	dma.local @!p0 [hbm:s0], s1  }
0xb7: {  	s0 =	simm.s32 @!p0 $0x3  }
0xb8: {  	_ =	swait.ge @!p0 [sflag:s0], s1  }
0xb9: {  	s1 =	ssub.s32 @!p0 $0x0, s1;
	[sflag:s0] =	ssyncset.done @!p0 $0x0  }
0xba: {  	[sflag:s0] =	ssyncadd.s32 @!p0 s1  }
0xbb: {  	[bflag:$0x3] =	sbarrier.arrive $0xFFFF  }
0xbc: {  	_ =	shalt  }

// kernel: sparse-core-data-format-call.cloned.1.call-start
scs
called_computation_lowered:
.L_overlay_start_0:
0x0: {  	s2 =	sld [smem:$0x3FD9]  }
0x1: {  	s3 =	sld [smem:$0x3FFE];
	_ =	sdelay $0x1  }
0x2: {  	s1 =	srdreg.scid  }
0x3: {  	s0 =	sand.u32 $0x1, s1  }
0x4: {  	s18 =	sshll.u32 s0, $0xA;
	s2 =	sadd.s32 s3, s2  }
0x5: {  	s2 =	sadd.s32 s2, s18  }
0x6: {  	[smem:$0x3FC6] =	sst s2  }
0x7: {  	_ = 	snop  }
0x8: {  	s2 =	sld [smem:$0x3FD0];
	(tm) =	ssettm $0x1  }
0x9: {  	s19 =	sld [smem:$0x3FFB];
	_ =	sdelay $0x3  }
0xa: {  	_ =	strace s19  }
0xb: {  	s3 =	sld [smem:$0x3FFC];
	_ =	sdelay $0x3  }
0xc: {  	_ =	strace s3  }
0xd: {  	s3 =	sld [smem:$0x3FFD];
	_ =	sdelay $0x3  }
0xe: {  	_ =	strace s3  }
0xf: {  	_ =	strace $0x8FFFFFFF  }
0x10: {  	s20 =	sld [smem:$0x3FDB];
	_ =	sdelay $0x1  }
0x11: {  	s4 =	simm.s32 $_scs_section_size  }
0x12: {  	s5 =	simm.s32 $_size__tile_overlayer_lowered;
	s6 =	simm.s32 $_tile_overlayer_lowered  }
0x13: {  	s23 =	simm.s32 $0x1BFF;
	s22 =	sshll.u32 s6, $0x1;
	s3 =	sadd.s32 s4, s20  }
0x14: {  	s7 =	simm.s32 $0x0;
	s21 =	sshll.u32 s5, $0x1;
	s5 =	sadd.s32 s22, s3  }
0x15: {  	[timem:s7], [sflag:s23] =	dma.local [hbm:s5], s21  }
0x16: {  	_ =	swait.ge [sflag:s23], s21  }
0x17: {  	s4 =	ssub.s32 $0x0, s21;
	[sflag:s23] =	ssyncset.done $0x0  }
0x18: {  	[sflag:s23] =	ssyncadd.s32 s4;
	_ =	sdelay $0x1  }
0x19: {  	s24 =	simm.s32 $0x1B8B  }
0x1a: {  	_ =	swait.ge [sflag:s24], $0x1  }
0x1b: {  	[sflag:s24] =	ssyncset.done $0x0  }
0x1c: {  	s26 =	simm.s32 $0x1B8E;
	s25 =	sld [smem:$0x3FFE];
	[sflag:s24] =	ssyncadd.s32 $0xFFFFFFFF  }
0x1d: {  	s27 =	simm.s32 $execute0_lowered;
	[smem:$0x3FD2] =	sst s26  }
0x1e: {  	s5 =	sshll.u32 s27, $0x1;
	_ =	strace $0x80000049;
	[dreg:$0x1] =	wrdreg $0xFFFFFFFF  }
0x1f: {  	s28 =	simm.s32 $_size_execute0_lowered;
	s3 =	sadd.s32 s3, s5;
	[dreg:$0x0] =	wrdreg $0x0  }
0x20: {  	s5 =	sshll.u32 s28, $0x1;
	[dreg:$0x2] =	wrdreg s3  }
0x21: {  	[dreg:$0x3] =	wrdreg s5  }
0x22: {  	[dreg:$0x4] =	wrdreg $0xC0  }
0x23: {  	_ =	task [dreg:s7], $0x5FFFF  }
0x24: {  	[dreg:$0x1] =	wrdreg $0xFFFFFFFF  }
0x25: {  	[dreg:$0x0] =	wrdreg $0x60  }
0x26: {  	[dreg:$0x2] =	wrdreg s25  }
0x27: {  	[dreg:$0x3] =	wrdreg s2  }
0x28: {  	[dreg:$0x4] =	wrdreg $0x9  }
0x29: {  	_ =	task.clear_ibuf [dreg:s7], $0x5FFFF;
	_ =	strace $0x90000049  }
0x2a: {  	s29 =	simm.s32 $0x9;
	_ =	strace $0x8000004B  }
0x2b: {  	_ =	swait.ge [sflag:s29], $0x1  }
0x2c: {  	[sflag:s29] =	ssyncadd.s32 $0xFFFFFFFF  }
0x2d: {  	_ =	strace $0x9000004B  }
0x2e: {  	_ =	sfence  }
0x2f: {  	s30 =	sld [smem:$0x0];
	_ =	sdelay $0x2  }
0x30: {  	s31 =	sshll.u32 s1, $0xD;
	s1 =	sshrl.u32 s1, $0x2  }
0x31: {  	s3 =	sand.u32 $0x4000, s31;
	s1 =	sadd.s32 s1, s30  }
0x32: {  	s0 =	sor.u32 s3, s0;
	s1 =	sshll.u32 s1, $0x11  }
0x33: {  	s0 =	sor.u32 s1, s0  }
0x34: {  	s0 =	sadd.s32 $0x8F2B, s0  }
0x35: {  	[sflag:s0] =	ssyncadd.remote.s32 $0x1  }
0x36: {  	_ =	sfence.sel $0xFFFF  }
0x37: {  	[dreg:$0x0] =	wrdreg $0xFFFFFFFF;
	(pc) =	sbr.abs _section_cstart, $3  }
0x38: {  	[dreg:$0x1] =	wrdreg $0xFFFFFFFF  }
0x39: {  	_ =	task.clear_ibuf [dreg:s7], $0x2FFFF;
	_ =	strace $0x9FFFFFFF  }
0x3a: {  	(tm) =	ssettm $0x7FFFFFFF  }
0x3b: {  	_ =	shalt  }
tec
execute0_lowered:
.L_overlay_start_1:
0x0: {  	(tag) =	ssettag $0x1  }
0x1: {  	s4 =	rddreg [dreg:$0x0]  }
0x2: {  	s0 =	srdreg.scid;
	s2 =	rddreg [dreg:$0x1]  }
0x3: {  	s1 =	stileid.u32;
	s5 =	simm.s32 $0x1;
	s7 =	simm.s32 $0x2  }
0x4: {  	s14 =	simm.s32 $0x0;
	p0 =	por $0x0, $0x0;
	s0 =	sshll.u32 s0, $0x4  }
0x5: {  	s13 =	simm.s32 $0x0;
	s8 =	simm.s32 $0x0;
	s3 =	sand.u32 $0x10, s0  }
.Ltmp0:
0x6: {  	s9 =	simm.s32 $0x0;
	s3 =	sor.u32 s1, s3;
	(pc) =	sbr.rel .LBB1_1-.Ltmp0, $4  }
0x7: {  	s11 =	simm.s32 $0x0;
	s12 =	simm.s32 $0x0;
	s3 =	sshll.u32 s3, $0x7  }
0x8: {  	s0 =	rddreg [dreg:$0x2];
	_ =	strace $0x8000004A;
	s6 =	ssub.s32 $0x18680, s3  }
0x9: {  	s4 =	sadd.s32 $0x187400, s4;
	[sflag:s5] =	ssyncpa.u1 $0x0;
	s6 =	sshrl.u32 s6, $0xC  }
0xa: {  	[sflag:s7] =	ssyncpa.u1 $0x0;
	s10 =	smov.u32 s3;
	s7 =	sadd.s32 $0x2, s6  }
.LBB1_5:
0xb: {  	p1 =	slt.u32 s12, $0x2  }
0xc: {  	p2 =	sgt.s32 @!p1 s14, $0x18620  }
0xd: {  	s15 =	smov.u32 s14;
	s16 =	sshra.s32 @!p1 s14, $0x1F;
	p2 =	por !p2, p1  }
0xe: {  	s14 =	sand.u32 @!p1 s16, s14;
	s15 =	simm.s32 @p2 $0x18620  }
0xf: {  	s14 =	ssub.s32 @!p1 s15, s14;
	s15 =	ssub.s32 @!p1 $0x0, s13  }
0x10: {  	s17 =	smov.u32 s11;
	s16 =	sadd.s32 @!p1 $0xFFFE79E0, s14;
	s13 =	smin.u32 @!p1 s13, s15  }
0x11: {  	s14 =	ssub.s32 @!p1 $0x186A0, s14;
	p2 =	sgt.s32 @!p1 s16, $0x7F;
	p3 =	sgt.s32 @!p1 s13, $0x7F  }
0x12: {  	s13 =	ssub.s32 @!p1 $0x80, s13;
	p2 =	por !p2, p1;
	p3 =	por !p3, p1  }
0x13: {  	s15 =	sadd.s32 $0x1000, s10;
	s14 =	simm.s32 @!p2 $0x0;
	s13 =	simm.s32 @!p3 $0x0  }
0x14: {  	p2 =	sgt.s32 s15, $0x1869F;
	s13 =	smul.u32 @!p1 s13, s14;
	s14 =	sadd.s32 $0x80, s11  }
0x15: {  	s17 =	smov.u32 @p2 s14  }
0x16: {  	s15 =	smov.u32 @p2 s3;
	p2 =	sgt.s32 s17, $0x7F  }
0x17: {  	s17 =	simm.s32 @p2 $0x0;
	p2 =	sne.s32 s12, s7  }
.Ltmp1:
0x18: {  	p0 =	por !p0, !p0;
	s16 =	simm.s32 @!p1 $0x2;
	(pc) =	sbr.rel @!p2 .LBB1_6-.Ltmp1, $4  }
0x19: {  	s14 =	smov.u32 s8;
	s8 =	smov.u32 s10;
	s13 =	sand.u32 @!p1 $0x3FFFFFFF, s13  }
0x1a: {  	s10 =	smov.u32 s15;
	_ =	swait.ge @!p1 [sflag:s16], s13;
	s18 =	ssub.s32 @!p1 $0x0, s13  }
0x1b: {  	s13 =	smov.u32 s9;
	s12 =	sadd.s32 $0x1, s12;
	[sflag:s16] =	ssyncset.done @!p1 $0x0  }
0x1c: {  	s9 =	smov.u32 s11;
	s11 =	smov.u32 s17;
	[sflag:s16] =	ssyncadd.s32 @!p1 s18  }
.LBB1_1:
0x1d: {  	p1 =	sgt.u32 s12, s6  }
0x1e: {  	s15 =	sshrl.u32 @!p1 s11, $0x3  }
0x1f: {  	s16 =	sshll.u32 @!p1 s10, $0x3;
	s15 =	smul.u32 @!p1 $0xC3800, s15  }
0x20: {  	s17 =	sshll.u32 @!p1 s11, $0x7;
	s16 =	sand.u32 @!p1 $0xFFFFFC00, s16  }
0x21: {  	s15 =	sadd.s32 @!p1 s15, s16;
	s16 =	sand.u32 @!p1 $0x380, s17  }
0x22: {  	s17 =	sand.u32 @!p1 $0x7F, s10;
	s15 =	sor.u32 @!p1 s16, s15  }
0x23: {  	s16 =	sor.u32 @!p1 s17, s15  }
0x24: {  	s17 =	smulhi.u32 @!p1 $0xA79C7B17, s16;
	_ =	sdelay $0x1  }
0x25: {  	s15 =	smulhi.u32 @!p1 $0xA79C7B17, s15;
	s17 =	sshrl.u32 @!p1 s17, $0x10  }
0x26: {  	s17 =	smul.u32 @!p1 $0x18700, s17  }
0x27: {  	s18 =	sxor.u32 @!p1 $0xFFFFFFFF, s12;
	s15 =	sshrl.u32 @!p1 s15, $0x10  }
0x28: {  	s18 =	sshll.u32 @!p1 s18, $0xE;
	s15 =	sand.u32 @!p1 $0x7F, s15;
	s16 =	ssub.s32 @!p1 s16, s17  }
0x29: {  	s15 =	smul.u32 @!p1 $0x30E0, s15;
	s17 =	sshrl.u32 @!p1 s16, $0x3;
	s16 =	sand.u32 @!p1 $0x7, s16  }
0x2a: {  	s18 =	sand.u32 @!p1 $0x4000, s18;
	s17 =	sadd.s32 @!p1 s4, s17;
	s16 =	sshll.u32 @!p1 s16, $0x12  }
0x2b: {  	s15 =	sadd.s32 @!p1 s15, s17;
	s16 =	sor.u32 @!p1 $0x400, s16;
	s17 =	simm.s32 @!p1 $0xC3800  }
0x2c: {  	[tilespmem:s18], [sflag:$0x1] =	stream.strided.gather @!p1 [hbm4b:s15+s16], $0x4000, s17, s16, $0x38;
	[tilespmem:$0x10100] =	vst v63  }
0x2d: {  	p1 =	seq.s32 s12, $0x0  }
0x2e: {  	p2 =	sge.u32 @!p1 s12, s7  }
0x2f: {  	p1 =	por p1, p2  }
.Ltmp2:
0x30: {  	_ = 	snop;
	(pc) =	sbr.rel @p1 .LBB1_5-.Ltmp2, $1  }
0x31: {  	_ =	sdelay $0x3  }
0x32: {  	s15 =	simm.s32 $0x1  }
0x33: {  	_ =	swait.ge [sflag:s5], $0x4000;
	s15 =	simm.s32 @!p0 $0x0  }
0x34: {  	[sflag:s5] =	ssyncset.done $0x0;
	s16 =	sshll.u32 s15, $0xE  }
0x35: {  	[sflag:s5] =	ssyncadd.s32 $0xFFFFC000;
	s16 =	sor.u32 $0x40, s16  }
0x36: {  	s15 =	smul.u32 $0x10200, s15;
	v0 =	vld [tilespmem:s16+$0x30]  }
0x37: {  	v1 =	vld [tilespmem:s16+$0xFFFFFFD0]  }
0x38: {  	s15 =	sshrl.u32 s15, $0x2;
	v5 =	vld [tilespmem:s16+$0xFFFFFFE0]  }
0x39: {  	v6 =	vld [tilespmem:s16+$0xFFFFFFF0];
	s18 =	sor.u32 $0x8000, s15  }
0x3a: {  	s31 =	sand.u32 $0x1, s12;
	v4 =	vld [tilespmem:s16+$0x0];
	s17 =	sadd.s32 $0x0, s18  }
0x3b: {  	v3 =	vld [tilespmem:s16+$0x10];
	s15 =	smul.u32 $0x10200, s31;
	[tilespmem:s17+$0x3870 ss:$0x81] =	vst.msk $0xffff, v0  }
0x3c: {  	v2 =	vld [tilespmem:s16+$0x20];
	[tilespmem:s17+$0x810 ss:$0x81] =	vst.msk $0xffff, v1  }
0x3d: {  	s15 =	sshrl.u32 s15, $0x2;
	v0 =	vld [tilespmem:s16+$0xFFFFFFC0];
	[tilespmem:s17+$0x1020 ss:$0x81] =	vst.msk $0xffff, v5;
	s16 =	sadd.s32 $0x80, s16  }
0x3e: {  	s19 =	simm.s32 $0x4;
	s20 =	simm.s32 $0x8;
	s15 =	sor.u32 $0x8000, s15;
	[tilespmem:s17+$0x1830 ss:$0x81] =	vst.msk $0xffff, v6;
	v1 =	vld [tilespmem:s16+$0x30]  }
.LBB1_3:
0x3f: {  	p1 =	sne.s32 s20, $0x1FC;
	v5 =	vld [tilespmem:s16+$0xFFFFFFD0];
	[tilespmem:s17+$0x2040 ss:$0x81] =	vst.msk $0xffff, v4  }
0x40: {  	v6 =	vld [tilespmem:s16+$0xFFFFFFE0];
	[tilespmem:s17+$0x2850 ss:$0x81] =	vst.msk $0xffff, v3  }
0x41: {  	s21 =	sshra.s32 s19, $0x2;
	s19 =	smov.u32 s20;
	v7 =	vld [tilespmem:s16+$0xFFFFFFF0];
	[tilespmem:s17+$0x3060 ss:$0x81] =	vst.msk $0xffff, v2  }
.Ltmp3:
0x42: {  	v4 =	vld [tilespmem:s16+$0x0];
	[tilespmem:s17+$0x0 ss:$0x81] =	vst.msk $0xffff, v0;
	s17 =	sadd.s32 s21, s18;
	(pc) =	sbr.rel @p1 .LBB1_3-.Ltmp3, $4  }
0x43: {  	v3 =	vld [tilespmem:s16+$0x10];
	[tilespmem:s17+$0x3870 ss:$0x81] =	vst.msk $0xffff, v1  }
0x44: {  	[tilespmem:s17+$0x810 ss:$0x81] =	vst.msk $0xffff, v5;
	v2 =	vld [tilespmem:s16+$0x20]  }
0x45: {  	v0 =	vld [tilespmem:s16+$0xFFFFFFC0];
	[tilespmem:s17+$0x1020 ss:$0x81] =	vst.msk $0xffff, v6;
	s16 =	sadd.s32 $0x80, s16  }
0x46: {  	s20 =	sadd.s32 $0x4, s20;
	v1 =	vld [tilespmem:s16+$0x30];
	[tilespmem:s17+$0x1830 ss:$0x81] =	vst.msk $0xffff, v7  }
0x47: {  	s20 =	sshll.u32 s8, $0x7;
	s21 =	sshll.u32 s9, $0x3;
	s19 =	sshra.s32 s19, $0x2  }
0x48: {  	v5 =	vld [tilespmem:s16+$0xFFFFFFD0];
	[tilespmem:s17+$0x2040 ss:$0x81] =	vst.msk $0xffff, v4;
	p1 =	sgt.s32 s8, $0x18620;
	s22 =	sand.u32 $0xFFFFFC00, s20;
	s21 =	sand.u32 $0xFFFFFC00, s21  }
0x49: {  	v58 =	vld [tilespmem:s16+$0xFFFFFFE0];
	s24 =	sshra.s32 s8, $0x1F;
	s20 =	sand.u32 $0x380, s20;
	[tilespmem:s17+$0x2850 ss:$0x81] =	vst.msk $0xffff, v3;
	s21 =	sadd.s32 s21, s22  }
0x4a: {  	v59 =	vld [tilespmem:s16+$0xFFFFFFF0];
	s26 =	ssub.s32 $0x0, s9;
	s18 =	sadd.s32 s19, s18;
	[tilespmem:s17+$0x3060 ss:$0x81] =	vst.msk $0xffff, v2;
	s23 =	sor.u32 s20, s21  }
0x4b: {  	v60 =	vld [tilespmem:s16+$0x0];
	s28 =	smin.u32 s9, s26;
	s20 =	smov.u32 s8;
	[tilespmem:s17+$0x0 ss:$0x81] =	vst.msk $0xffff, v0;
	s19 =	sshrl.u32 s23, $0x7  }
0x4c: {  	v61 =	vld [tilespmem:s16+$0x10];
	s21 =	sand.u32 s24, s8;
	s20 =	simm.s32 @!p1 $0x18620;
	[tilespmem:s18+$0x3870 ss:$0x81] =	vst.msk $0xffff, v1;
	s25 =	smulhi.u32 $0x14F8B59, s19  }
0x4d: {  	v62 =	vld [tilespmem:s16+$0x20];
	s29 =	sshrl.u32 s9, $0x3;
	p2 =	sgt.s32 s28, $0x7F;
	s20 =	ssub.s32 s20, s21;
	[tilespmem:s18+$0x810 ss:$0x81] =	vst.msk $0xffff, v5  }
0x4e: {  	v63 =	vld [tilespmem:s16+$0xFFFFFFC0];
	[tilespmem:s18+$0x1020 ss:$0x81] =	vst.msk $0xffff, v58;
	s21 =	sadd.s32 $0xFFFE79E0, s20;
	s20 =	ssub.s32 $0x186A0, s20;
	s17 =	sshrl.u32 s25, $0x9  }
0x4f: {  	[tilespmem:s18+$0x1830 ss:$0x81] =	vst.msk $0xffff, v59;
	p1 =	sgt.s32 s21, $0x7F;
	s27 =	smul.u32 $0x186A0, s17;
	s17 =	ssub.s32 $0x80, s28  }
.Ltmp4:
0x50: {  	[tilespmem:s18+$0x2040 ss:$0x81] =	vst.msk $0xffff, v60;
	s20 =	simm.s32 @p1 $0x0;
	s17 =	simm.s32 @p2 $0x0;
	(pc) =	sbr.rel .LBB1_5-.Ltmp4, $4  }
0x51: {  	s30 =	sand.u32 $0xF, s29;
	[tilespmem:s18+$0x2850 ss:$0x81] =	vst.msk $0xffff, v61;
	s16 =	ssub.s32 s19, s27;
	s17 =	smul.u32 s17, s20  }
0x52: {  	[tilespmem:s18+$0x3060 ss:$0x81] =	vst.msk $0xffff, v62;
	s19 =	sadd.s32 s2, s30;
	s16 =	sshll.u32 s16, $0x4  }
0x53: {  	s31 =	sand.u32 $0x7, s9;
	[tilespmem:s18+$0x0 ss:$0x81] =	vst.msk $0xffff, v63;
	s17 =	sand.u32 $0x3FFFFFFF, s17;
	s16 =	sadd.s32 s16, s19  }
0x54: {  	[hbm4b:s16+s31] =	stream.linear.scatter [tilespmem:s15], [sflag:$0x2], s17, $0x20;
	[tilespmem:$0x10100] =	vst v63  }
.LBB1_6:
0x55: {  	_ =	sfence.sel $0x180000  }
0x56: {  	s2 =	simm.s32 $0x1;
	[bflag:$0x0] =	sbarrier.arrive $0xFFFF  }
0x57: {  	s31 =	simm.s32 $0x2;
	[sflag:s2] =	ssyncpa.u1 $0x1  }
0x58: {  	[sflag:s31] =	ssyncpa.u1 $0x1  }
0x59: {  	p0 =	sne.s32 s1, $0x0;
	_ =	strace $0x9000004A  }
0x5a: {  	s0 =	sadd.s32 @!p0 $0x100000, s0;
	[bflag:$0x2] =	sbarrier.arrive $0xFFFF  }
0x5b: {  	[sflag:s0] =	ssyncadd.tile.s32 @!p0 $0x1;
	_ =	shalt  }
.Lfunc_end1:
_tile_overlayer_lowered:
.L_overlay_start_2:
0x5c: {  	(tag) =	ssettag $0x2  }
0x5d: {  	s0 =	rddreg [dreg:$0x0];
	s2 =	stileid.u32  }
0x5e: {  	s1 =	rddreg [dreg:$0x1];
	p0 =	sne.s32 s2, $0x0  }
0x5f: {  	s3 =	rddreg [dreg:$0x2];
	[bflag:$0x3] =	sbarrier.arrive $0xFFFF;
	s2 =	simm.s32 @!p0 $0x1C01  }
0x60: {  	[timem:s3], [sflag:s2] =	dma.local @!p0 [hbm:s0], s1  }
0x61: {  	s0 =	simm.s32 @!p0 $0x1  }
0x62: {  	_ =	swait.ge @!p0 [sflag:s0], s1  }
0x63: {  	s1 =	ssub.s32 @!p0 $0x0, s1;
	[sflag:s0] =	ssyncset.done @!p0 $0x0  }
0x64: {  	[sflag:s0] =	ssyncadd.s32 @!p0 s1  }
0x65: {  	[bflag:$0x3] =	sbarrier.arrive $0xFFFF  }
0x66: {  	_ =	shalt  }

</sc_bundles>
